<compile_context>
chip_gen: v7x
topology: tpu7x:2x2x1
jax: 0.10.2.dev20260603
libtpu: 0.0.44.dev20260713+nightly
codegen_flags: <defaults>
</compile_context>

<pallas_src>
import functools

import jax
import jax.numpy as jnp
from jax import lax
from jax.experimental import pallas as pl
from jax.experimental.pallas import tpu as pltpu
from jax.experimental.pallas import tpu_sc as plsc

_L = 16
_NB = 8


def kernel(indices, weight):
    (B,) = indices.shape
    V, D = weight.shape
    info = plsc.get_sparse_core_info()
    num_workers = info.num_cores * info.num_subcores
    per = B // num_workers

    idx32 = indices.astype(jnp.int32)
    wT = weight.T
    mesh = plsc.VectorSubcoreMesh(core_axis_name="c", subcore_axis_name="s")

    @functools.partial(
        pl.kernel,
        mesh=mesh,
        out_type=jax.ShapeDtypeStruct((D, B), jnp.float32),
        scratch_types=[
            pltpu.VMEM((per,), jnp.int32),
            pltpu.VMEM((_NB, D, 128), jnp.float32),
            pltpu.VMEM((D, per), jnp.float32),
            pltpu.SemaphoreType.DMA,
        ],
        compiler_params=pltpu.CompilerParams(needs_layout_passes=False),
    )
    def gather_kernel(idx_hbm, table_hbm, out_hbm, idx_v, ring, cols_v, sem):
        wid = lax.axis_index("s") * info.num_cores + lax.axis_index("c")
        base = wid * per
        pltpu.sync_copy(idx_hbm.at[pl.ds(base, per)], idx_v)

        lane16 = lax.iota(jnp.int32, _L)

        def fetch(block_start, slot):
            pltpu.async_copy(
                table_hbm.at[:, pl.ds(pl.multiple_of(block_start, 128), 128)],
                ring.at[slot],
                sem,
            )

        def wait_fetch(slot):
            pltpu.make_async_copy(
                table_hbm.at[:, pl.ds(0, 128)], ring.at[slot], sem
            ).wait()

        def body(g, carry):
            vec = idx_v[pl.ds(g * _L, _L)]
            starts = (vec >> 7) << 7
            lanes = vec & 127
            for j in range(_NB):
                fetch(starts[j], j)
            for j in range(_L):
                wait_fetch(j % _NB)
                lane = lanes[j]
                pos = g * _L + j
                for c in range(D // _L):
                    sub = lane16 + c * _L
                    val = plsc.load_gather(
                        ring.at[j % _NB], [sub, lax.broadcast(lane, (_L,))]
                    )
                    plsc.store_scatter(
                        cols_v, [sub, lax.broadcast(pos, (_L,))], val
                    )
                if j + _NB < _L:
                    fetch(starts[j + _NB], (j + _NB) % _NB)
            return carry

        lax.fori_loop(0, per // _L, body, 0)
        pltpu.sync_copy(cols_v, out_hbm.at[:, pl.ds(base, per)])

    outT = gather_kernel(idx32, wT)
    return outT.T

# --- scband reference (transcript-rebuilt; emitter-appended) ---
"""Pipeline reference for scband-direct-cxlembedding-25683904430111 (READ-ONLY COPY).

The authoritative reference and input builder live on the scoring server;
editing this copy changes nothing except your own understanding.
"""

import jax, jax.numpy as jnp
import numpy as np
import math

NUM_EMBEDDINGS = 1000000
EMBEDDING_DIM = 64
BATCH = 16384

def setup_inputs(seed: int = 0) -> dict:
    key = jax.random.key(seed)
    k_idx, k_w = jax.random.split(key)
    indices = jax.random.randint(k_idx, (BATCH,), 0, NUM_EMBEDDINGS, dtype=jnp.int64)
    # weights initialized as randn * (1/sqrt(embedding_dim)), matching _initialize_weights
    weight = jax.random.normal(k_w, (NUM_EMBEDDINGS, EMBEDDING_DIM), dtype=jnp.float32) * (1.0 / math.sqrt(EMBEDDING_DIM))
    return {"indices": indices, "weight": weight}

def reference(indices, weight):
    # forward: flatten indices, gather rows from embedding table, reshape to (*orig_shape, D)
    original_shape = indices.shape
    flat_indices = indices.reshape(-1)
    result = jnp.take(weight, flat_indices, axis=0)
    return result.reshape(*original_shape, weight.shape[1])

if __name__ == "__main__":
    import jax
    _d = setup_inputs()
    print(jax.jit(kernel)(*tuple(_d.values())))

</pallas_src>

<mosaic_0001>
#map = affine_map<(d0, d1) -> (0)>
#map1 = affine_map<(d0, d1) -> (0, 0)>
module attributes {stable_mosaic.version = 14 : i64} {
  func.func @gather_kernel(%arg0: i32, %arg1: i32, %arg2: memref<16384xi32, #tpu.memory_space<hbm>>, %arg3: memref<64x1000000xf32, #tpu.memory_space<hbm>>, %arg4: memref<64x16384xf32, #tpu.memory_space<hbm>>, %arg5: memref<512xi32, #tpu.memory_space<vmem>>, %arg6: memref<8x64x128xf32, #tpu.memory_space<vmem>>, %arg7: memref<64x512xf32, #tpu.memory_space<vmem>>, %arg8: memref<!tpu.dma_semaphore, #tpu.memory_space<semaphore_mem>>) attributes {dimension_semantics = [#tpu.dimension_semantics<core_parallel>, #tpu.dimension_semantics<subcore_parallel>], iteration_bounds = array<i64: 2, 16>, scalar_prefetch = 0 : i64, scratch_operands = 4 : i64, tpu.core_type = #tpu.core_type<sc_vector_subcore>, window_params = [{transform_indices = #map}, {transform_indices = #map1}, {transform_indices = #map1}]} {
    %mul3A = arith.constant 2 : i32
    %mul3A_0 = arith.muli %arg1, %mul3A : i32
    %add3A = arith.addi %mul3A_0, %arg0 : i32
    %mul3A_1 = arith.constant 512 : i32
    %mul3A_2 = arith.muli %add3A, %mul3A_1 : i32
    "tpu.region"() ({
      %run_scoped3A = tpu.sem_alloc : memref<!tpu.dma_semaphore, #tpu.memory_space<semaphore_mem>>
      %dma_start3A = tpu.memref_slice %arg2[%mul3A_2] : memref<16384xi32, #tpu.memory_space<hbm>> -> memref<512xi32, #tpu.memory_space<hbm>>
      %dma_start3A_8 = tpu.memref_slice %arg2[%mul3A_2] : memref<16384xi32, #tpu.memory_space<hbm>> -> memref<512xi32, #tpu.memory_space<hbm>>
      tpu.enqueue_dma source(%dma_start3A_8 : memref<512xi32, #tpu.memory_space<hbm>>) target(%arg5 : memref<512xi32, #tpu.memory_space<vmem>>) target_semaphore(%run_scoped3A : memref<!tpu.dma_semaphore, #tpu.memory_space<semaphore_mem>>)
      %dma_wait3A = tpu.memref_slice %arg2[%mul3A_2] : memref<16384xi32, #tpu.memory_space<hbm>> -> memref<512xi32, #tpu.memory_space<hbm>>
      %dma_wait3A_9 = tpu.memref_slice %arg2[%mul3A_2] : memref<16384xi32, #tpu.memory_space<hbm>> -> memref<512xi32, #tpu.memory_space<hbm>>
      tpu.wait_dma2 semaphore(%run_scoped3A : memref<!tpu.dma_semaphore, #tpu.memory_space<semaphore_mem>>) src(%dma_wait3A_9 : memref<512xi32, #tpu.memory_space<hbm>>) dst(%arg5 : memref<512xi32, #tpu.memory_space<vmem>>)
      tpu.yield
    }) : () -> ()
    %iota3A = tpu.iota {dimensions = array<i32: 0>} : vector<16xi32>
    %scan3A = arith.constant 0 : i32
    %scan3A_3 = arith.constant 0 : i32
    %scan3A_4 = arith.constant 32 : i32
    %scan3A_5 = arith.addi %scan3A_3, %scan3A_4 : i32
    %scan3A_6 = arith.constant 1 : i32
    scf.for %scan3A_8 = %scan3A_3 to %scan3A_5 step %scan3A_6  : i32 {
      %mul3A_9 = arith.constant 16 : i32
      %mul3A_10 = arith.muli %scan3A_8, %mul3A_9 : i32
      %get3A = arith.index_cast %mul3A_10 : i32 to index
      %get3A_11 = tpu.vector_load %arg5[%get3A] {strides = array<i32>} : memref<512xi32, #tpu.memory_space<vmem>>, vector<16xi32>,
      %shift_right_arithmetic3A = arith.constant 7 : i32
      %shift_right_arithmetic3A_12 = vector.broadcast %shift_right_arithmetic3A : i32 to vector<16xi32>
      %shift_right_arithmetic3A_13 = arith.shrsi %get3A_11, %shift_right_arithmetic3A_12 : vector<16xi32>
      %shift_left3A = arith.constant 7 : i32
      %shift_left3A_14 = vector.broadcast %shift_left3A : i32 to vector<16xi32>
      %shift_left3A_15 = arith.shli %shift_right_arithmetic3A_13, %shift_left3A_14 : vector<16xi32>
      %and3A = arith.constant 127 : i32
      %and3A_16 = vector.broadcast %and3A : i32 to vector<16xi32>
      %and3A_17 = arith.andi %get3A_11, %and3A_16 : vector<16xi32>
      %slice3A = vector.extract_strided_slice %shift_left3A_15 {offsets = [0], sizes = [1], strides = [1]} : vector<16xi32> to vector<1xi32>
      %squeeze3A = vector.extract %slice3A[0] : i32 from vector<1xi32>
      %multiple_of3A = tpu.assume_multiple %squeeze3A, 128 : i32
      %dma_start3A = arith.constant 0 : i32
      %dma_start3A_18 = arith.constant 0 : i32
      %dma_start3A_19 = arith.constant 0 : i32
      %dma_start3A_20 = tpu.memref_slice %arg6[%dma_start3A, %dma_start3A_18, %dma_start3A_19] : memref<8x64x128xf32, #tpu.memory_space<vmem>> -> memref<1x64x128xf32, #tpu.memory_space<vmem>>
      %dma_start3A_21 = tpu.memref_squeeze %dma_start3A_20 : memref<1x64x128xf32, #tpu.memory_space<vmem>> -> memref<64x128xf32, #tpu.memory_space<vmem>>
      %dma_start3A_22 = arith.constant 0 : i32
      %dma_start3A_23 = tpu.memref_slice %arg3[%dma_start3A_22, %multiple_of3A] : memref<64x1000000xf32, #tpu.memory_space<hbm>> -> memref<64x128xf32, #tpu.memory_space<hbm>>
      %dma_start3A_24 = arith.constant 0 : i32
      %dma_start3A_25 = arith.constant 0 : i32
      %dma_start3A_26 = tpu.memref_slice %arg6[%dma_start3A, %dma_start3A_24, %dma_start3A_25] : memref<8x64x128xf32, #tpu.memory_space<vmem>> -> memref<1x64x128xf32, #tpu.memory_space<vmem>>
      %dma_start3A_27 = tpu.memref_squeeze %dma_start3A_26 : memref<1x64x128xf32, #tpu.memory_space<vmem>> -> memref<64x128xf32, #tpu.memory_space<vmem>>
      %dma_start3A_28 = arith.constant 0 : i32
      %dma_start3A_29 = tpu.memref_slice %arg3[%dma_start3A_28, %multiple_of3A] : memref<64x1000000xf32, #tpu.memory_space<hbm>> -> memref<64x128xf32, #tpu.memory_space<hbm>>
      tpu.enqueue_dma source(%dma_start3A_29 : memref<64x128xf32, #tpu.memory_space<hbm>>) target(%dma_start3A_27 : memref<64x128xf32, #tpu.memory_space<vmem>>) target_semaphore(%arg8 : memref<!tpu.dma_semaphore, #tpu.memory_space<semaphore_mem>>)
      %slice3A_30 = vector.extract_strided_slice %shift_left3A_15 {offsets = [1], sizes = [1], strides = [1]} : vector<16xi32> to vector<1xi32>
      %squeeze3A_31 = vector.extract %slice3A_30[0] : i32 from vector<1xi32>
      %multiple_of3A_32 = tpu.assume_multiple %squeeze3A_31, 128 : i32
      %dma_start3A_33 = arith.constant 1 : i32
      %dma_start3A_34 = arith.constant 0 : i32
      %dma_start3A_35 = arith.constant 0 : i32
      %dma_start3A_36 = tpu.memref_slice %arg6[%dma_start3A_33, %dma_start3A_34, %dma_start3A_35] : memref<8x64x128xf32, #tpu.memory_space<vmem>> -> memref<1x64x128xf32, #tpu.memory_space<vmem>>
      %dma_start3A_37 = tpu.memref_squeeze %dma_start3A_36 : memref<1x64x128xf32, #tpu.memory_space<vmem>> -> memref<64x128xf32, #tpu.memory_space<vmem>>
      %dma_start3A_38 = arith.constant 0 : i32
      %dma_start3A_39 = tpu.memref_slice %arg3[%dma_start3A_38, %multiple_of3A_32] : memref<64x1000000xf32, #tpu.memory_space<hbm>> -> memref<64x128xf32, #tpu.memory_space<hbm>>
      %dma_start3A_40 = arith.constant 0 : i32
      %dma_start3A_41 = arith.constant 0 : i32
      %dma_start3A_42 = tpu.memref_slice %arg6[%dma_start3A_33, %dma_start3A_40, %dma_start3A_41] : memref<8x64x128xf32, #tpu.memory_space<vmem>> -> memref<1x64x128xf32, #tpu.memory_space<vmem>>
      %dma_start3A_43 = tpu.memref_squeeze %dma_start3A_42 : memref<1x64x128xf32, #tpu.memory_space<vmem>> -> memref<64x128xf32, #tpu.memory_space<vmem>>
      %dma_start3A_44 = arith.constant 0 : i32
      %dma_start3A_45 = tpu.memref_slice %arg3[%dma_start3A_44, %multiple_of3A_32] : memref<64x1000000xf32, #tpu.memory_space<hbm>> -> memref<64x128xf32, #tpu.memory_space<hbm>>
      tpu.enqueue_dma source(%dma_start3A_45 : memref<64x128xf32, #tpu.memory_space<hbm>>) target(%dma_start3A_43 : memref<64x128xf32, #tpu.memory_space<vmem>>) target_semaphore(%arg8 : memref<!tpu.dma_semaphore, #tpu.memory_space<semaphore_mem>>)
      %slice3A_46 = vector.extract_strided_slice %shift_left3A_15 {offsets = [2], sizes = [1], strides = [1]} : vector<16xi32> to vector<1xi32>
      %squeeze3A_47 = vector.extract %slice3A_46[0] : i32 from vector<1xi32>
      %multiple_of3A_48 = tpu.assume_multiple %squeeze3A_47, 128 : i32
      %dma_start3A_49 = arith.constant 2 : i32
      %dma_start3A_50 = arith.constant 0 : i32
      %dma_start3A_51 = arith.constant 0 : i32
      %dma_start3A_52 = tpu.memref_slice %arg6[%dma_start3A_49, %dma_start3A_50, %dma_start3A_51] : memref<8x64x128xf32, #tpu.memory_space<vmem>> -> memref<1x64x128xf32, #tpu.memory_space<vmem>>
      %dma_start3A_53 = tpu.memref_squeeze %dma_start3A_52 : memref<1x64x128xf32, #tpu.memory_space<vmem>> -> memref<64x128xf32, #tpu.memory_space<vmem>>
      %dma_start3A_54 = arith.constant 0 : i32
      %dma_start3A_55 = tpu.memref_slice %arg3[%dma_start3A_54, %multiple_of3A_48] : memref<64x1000000xf32, #tpu.memory_space<hbm>> -> memref<64x128xf32, #tpu.memory_space<hbm>>
      %dma_start3A_56 = arith.constant 0 : i32
      %dma_start3A_57 = arith.constant 0 : i32
      %dma_start3A_58 = tpu.memref_slice %arg6[%dma_start3A_49, %dma_start3A_56, %dma_start3A_57] : memref<8x64x128xf32, #tpu.memory_space<vmem>> -> memref<1x64x128xf32, #tpu.memory_space<vmem>>
      %dma_start3A_59 = tpu.memref_squeeze %dma_start3A_58 : memref<1x64x128xf32, #tpu.memory_space<vmem>> -> memref<64x128xf32, #tpu.memory_space<vmem>>
      %dma_start3A_60 = arith.constant 0 : i32
      %dma_start3A_61 = tpu.memref_slice %arg3[%dma_start3A_60, %multiple_of3A_48] : memref<64x1000000xf32, #tpu.memory_space<hbm>> -> memref<64x128xf32, #tpu.memory_space<hbm>>
      tpu.enqueue_dma source(%dma_start3A_61 : memref<64x128xf32, #tpu.memory_space<hbm>>) target(%dma_start3A_59 : memref<64x128xf32, #tpu.memory_space<vmem>>) target_semaphore(%arg8 : memref<!tpu.dma_semaphore, #tpu.memory_space<semaphore_mem>>)
      %slice3A_62 = vector.extract_strided_slice %shift_left3A_15 {offsets = [3], sizes = [1], strides = [1]} : vector<16xi32> to vector<1xi32>
      %squeeze3A_63 = vector.extract %slice3A_62[0] : i32 from vector<1xi32>
      %multiple_of3A_64 = tpu.assume_multiple %squeeze3A_63, 128 : i32
      %dma_start3A_65 = arith.constant 3 : i32
      %dma_start3A_66 = arith.constant 0 : i32
      %dma_start3A_67 = arith.constant 0 : i32
      %dma_start3A_68 = tpu.memref_slice %arg6[%dma_start3A_65, %dma_start3A_66, %dma_start3A_67] : memref<8x64x128xf32, #tpu.memory_space<vmem>> -> memref<1x64x128xf32, #tpu.memory_space<vmem>>
      %dma_start3A_69 = tpu.memref_squeeze %dma_start3A_68 : memref<1x64x128xf32, #tpu.memory_space<vmem>> -> memref<64x128xf32, #tpu.memory_space<vmem>>
      %dma_start3A_70 = arith.constant 0 : i32
      %dma_start3A_71 = tpu.memref_slice %arg3[%dma_start3A_70, %multiple_of3A_64] : memref<64x1000000xf32, #tpu.memory_space<hbm>> -> memref<64x128xf32, #tpu.memory_space<hbm>>
      %dma_start3A_72 = arith.constant 0 : i32
      %dma_start3A_73 = arith.constant 0 : i32
      %dma_start3A_74 = tpu.memref_slice %arg6[%dma_start3A_65, %dma_start3A_72, %dma_start3A_73] : memref<8x64x128xf32, #tpu.memory_space<vmem>> -> memref<1x64x128xf32, #tpu.memory_space<vmem>>
      %dma_start3A_75 = tpu.memref_squeeze %dma_start3A_74 : memref<1x64x128xf32, #tpu.memory_space<vmem>> -> memref<64x128xf32, #tpu.memory_space<vmem>>
      %dma_start3A_76 = arith.constant 0 : i32
      %dma_start3A_77 = tpu.memref_slice %arg3[%dma_start3A_76, %multiple_of3A_64] : memref<64x1000000xf32, #tpu.memory_space<hbm>> -> memref<64x128xf32, #tpu.memory_space<hbm>>
      tpu.enqueue_dma source(%dma_start3A_77 : memref<64x128xf32, #tpu.memory_space<hbm>>) target(%dma_start3A_75 : memref<64x128xf32, #tpu.memory_space<vmem>>) target_semaphore(%arg8 : memref<!tpu.dma_semaphore, #tpu.memory_space<semaphore_mem>>)
      %slice3A_78 = vector.extract_strided_slice %shift_left3A_15 {offsets = [4], sizes = [1], strides = [1]} : vector<16xi32> to vector<1xi32>
      %squeeze3A_79 = vector.extract %slice3A_78[0] : i32 from vector<1xi32>
      %multiple_of3A_80 = tpu.assume_multiple %squeeze3A_79, 128 : i32
      %dma_start3A_81 = arith.constant 4 : i32
      %dma_start3A_82 = arith.constant 0 : i32
      %dma_start3A_83 = arith.constant 0 : i32
      %dma_start3A_84 = tpu.memref_slice %arg6[%dma_start3A_81, %dma_start3A_82, %dma_start3A_83] : memref<8x64x128xf32, #tpu.memory_space<vmem>> -> memref<1x64x128xf32, #tpu.memory_space<vmem>>
      %dma_start3A_85 = tpu.memref_squeeze %dma_start3A_84 : memref<1x64x128xf32, #tpu.memory_space<vmem>> -> memref<64x128xf32, #tpu.memory_space<vmem>>
      %dma_start3A_86 = arith.constant 0 : i32
      %dma_start3A_87 = tpu.memref_slice %arg3[%dma_start3A_86, %multiple_of3A_80] : memref<64x1000000xf32, #tpu.memory_space<hbm>> -> memref<64x128xf32, #tpu.memory_space<hbm>>
      %dma_start3A_88 = arith.constant 0 : i32
      %dma_start3A_89 = arith.constant 0 : i32
      %dma_start3A_90 = tpu.memref_slice %arg6[%dma_start3A_81, %dma_start3A_88, %dma_start3A_89] : memref<8x64x128xf32, #tpu.memory_space<vmem>> -> memref<1x64x128xf32, #tpu.memory_space<vmem>>
      %dma_start3A_91 = tpu.memref_squeeze %dma_start3A_90 : memref<1x64x128xf32, #tpu.memory_space<vmem>> -> memref<64x128xf32, #tpu.memory_space<vmem>>
      %dma_start3A_92 = arith.constant 0 : i32
      %dma_start3A_93 = tpu.memref_slice %arg3[%dma_start3A_92, %multiple_of3A_80] : memref<64x1000000xf32, #tpu.memory_space<hbm>> -> memref<64x128xf32, #tpu.memory_space<hbm>>
      tpu.enqueue_dma source(%dma_start3A_93 : memref<64x128xf32, #tpu.memory_space<hbm>>) target(%dma_start3A_91 : memref<64x128xf32, #tpu.memory_space<vmem>>) target_semaphore(%arg8 : memref<!tpu.dma_semaphore, #tpu.memory_space<semaphore_mem>>)
      %slice3A_94 = vector.extract_strided_slice %shift_left3A_15 {offsets = [5], sizes = [1], strides = [1]} : vector<16xi32> to vector<1xi32>
      %squeeze3A_95 = vector.extract %slice3A_94[0] : i32 from vector<1xi32>
      %multiple_of3A_96 = tpu.assume_multiple %squeeze3A_95, 128 : i32
      %dma_start3A_97 = arith.constant 5 : i32
      %dma_start3A_98 = arith.constant 0 : i32
      %dma_start3A_99 = arith.constant 0 : i32
      %dma_start3A_100 = tpu.memref_slice %arg6[%dma_start3A_97, %dma_start3A_98, %dma_start3A_99] : memref<8x64x128xf32, #tpu.memory_space<vmem>> -> memref<1x64x128xf32, #tpu.memory_space<vmem>>
      %dma_start3A_101 = tpu.memref_squeeze %dma_start3A_100 : memref<1x64x128xf32, #tpu.memory_space<vmem>> -> memref<64x128xf32, #tpu.memory_space<vmem>>
      %dma_start3A_102 = arith.constant 0 : i32
      %dma_start3A_103 = tpu.memref_slice %arg3[%dma_start3A_102, %multiple_of3A_96] : memref<64x1000000xf32, #tpu.memory_space<hbm>> -> memref<64x128xf32, #tpu.memory_space<hbm>>
      %dma_start3A_104 = arith.constant 0 : i32
      %dma_start3A_105 = arith.constant 0 : i32
      %dma_start3A_106 = tpu.memref_slice %arg6[%dma_start3A_97, %dma_start3A_104, %dma_start3A_105] : memref<8x64x128xf32, #tpu.memory_space<vmem>> -> memref<1x64x128xf32, #tpu.memory_space<vmem>>
      %dma_start3A_107 = tpu.memref_squeeze %dma_start3A_106 : memref<1x64x128xf32, #tpu.memory_space<vmem>> -> memref<64x128xf32, #tpu.memory_space<vmem>>
      %dma_start3A_108 = arith.constant 0 : i32
      %dma_start3A_109 = tpu.memref_slice %arg3[%dma_start3A_108, %multiple_of3A_96] : memref<64x1000000xf32, #tpu.memory_space<hbm>> -> memref<64x128xf32, #tpu.memory_space<hbm>>
      tpu.enqueue_dma source(%dma_start3A_109 : memref<64x128xf32, #tpu.memory_space<hbm>>) target(%dma_start3A_107 : memref<64x128xf32, #tpu.memory_space<vmem>>) target_semaphore(%arg8 : memref<!tpu.dma_semaphore, #tpu.memory_space<semaphore_mem>>)
      %slice3A_110 = vector.extract_strided_slice %shift_left3A_15 {offsets = [6], sizes = [1], strides = [1]} : vector<16xi32> to vector<1xi32>
      %squeeze3A_111 = vector.extract %slice3A_110[0] : i32 from vector<1xi32>
      %multiple_of3A_112 = tpu.assume_multiple %squeeze3A_111, 128 : i32
      %dma_start3A_113 = arith.constant 6 : i32
      %dma_start3A_114 = arith.constant 0 : i32
      %dma_start3A_115 = arith.constant 0 : i32
      %dma_start3A_116 = tpu.memref_slice %arg6[%dma_start3A_113, %dma_start3A_114, %dma_start3A_115] : memref<8x64x128xf32, #tpu.memory_space<vmem>> -> memref<1x64x128xf32, #tpu.memory_space<vmem>>
      %dma_start3A_117 = tpu.memref_squeeze %dma_start3A_116 : memref<1x64x128xf32, #tpu.memory_space<vmem>> -> memref<64x128xf32, #tpu.memory_space<vmem>>
      %dma_start3A_118 = arith.constant 0 : i32
      %dma_start3A_119 = tpu.memref_slice %arg3[%dma_start3A_118, %multiple_of3A_112] : memref<64x1000000xf32, #tpu.memory_space<hbm>> -> memref<64x128xf32, #tpu.memory_space<hbm>>
      %dma_start3A_120 = arith.constant 0 : i32
      %dma_start3A_121 = arith.constant 0 : i32
      %dma_start3A_122 = tpu.memref_slice %arg6[%dma_start3A_113, %dma_start3A_120, %dma_start3A_121] : memref<8x64x128xf32, #tpu.memory_space<vmem>> -> memref<1x64x128xf32, #tpu.memory_space<vmem>>
      %dma_start3A_123 = tpu.memref_squeeze %dma_start3A_122 : memref<1x64x128xf32, #tpu.memory_space<vmem>> -> memref<64x128xf32, #tpu.memory_space<vmem>>
      %dma_start3A_124 = arith.constant 0 : i32
      %dma_start3A_125 = tpu.memref_slice %arg3[%dma_start3A_124, %multiple_of3A_112] : memref<64x1000000xf32, #tpu.memory_space<hbm>> -> memref<64x128xf32, #tpu.memory_space<hbm>>
      tpu.enqueue_dma source(%dma_start3A_125 : memref<64x128xf32, #tpu.memory_space<hbm>>) target(%dma_start3A_123 : memref<64x128xf32, #tpu.memory_space<vmem>>) target_semaphore(%arg8 : memref<!tpu.dma_semaphore, #tpu.memory_space<semaphore_mem>>)
      %slice3A_126 = vector.extract_strided_slice %shift_left3A_15 {offsets = [7], sizes = [1], strides = [1]} : vector<16xi32> to vector<1xi32>
      %squeeze3A_127 = vector.extract %slice3A_126[0] : i32 from vector<1xi32>
      %multiple_of3A_128 = tpu.assume_multiple %squeeze3A_127, 128 : i32
      %dma_start3A_129 = arith.constant 7 : i32
      %dma_start3A_130 = arith.constant 0 : i32
      %dma_start3A_131 = arith.constant 0 : i32
      %dma_start3A_132 = tpu.memref_slice %arg6[%dma_start3A_129, %dma_start3A_130, %dma_start3A_131] : memref<8x64x128xf32, #tpu.memory_space<vmem>> -> memref<1x64x128xf32, #tpu.memory_space<vmem>>
      %dma_start3A_133 = tpu.memref_squeeze %dma_start3A_132 : memref<1x64x128xf32, #tpu.memory_space<vmem>> -> memref<64x128xf32, #tpu.memory_space<vmem>>
      %dma_start3A_134 = arith.constant 0 : i32
      %dma_start3A_135 = tpu.memref_slice %arg3[%dma_start3A_134, %multiple_of3A_128] : memref<64x1000000xf32, #tpu.memory_space<hbm>> -> memref<64x128xf32, #tpu.memory_space<hbm>>
      %dma_start3A_136 = arith.constant 0 : i32
      %dma_start3A_137 = arith.constant 0 : i32
      %dma_start3A_138 = tpu.memref_slice %arg6[%dma_start3A_129, %dma_start3A_136, %dma_start3A_137] : memref<8x64x128xf32, #tpu.memory_space<vmem>> -> memref<1x64x128xf32, #tpu.memory_space<vmem>>
      %dma_start3A_139 = tpu.memref_squeeze %dma_start3A_138 : memref<1x64x128xf32, #tpu.memory_space<vmem>> -> memref<64x128xf32, #tpu.memory_space<vmem>>
      %dma_start3A_140 = arith.constant 0 : i32
      %dma_start3A_141 = tpu.memref_slice %arg3[%dma_start3A_140, %multiple_of3A_128] : memref<64x1000000xf32, #tpu.memory_space<hbm>> -> memref<64x128xf32, #tpu.memory_space<hbm>>
      tpu.enqueue_dma source(%dma_start3A_141 : memref<64x128xf32, #tpu.memory_space<hbm>>) target(%dma_start3A_139 : memref<64x128xf32, #tpu.memory_space<vmem>>) target_semaphore(%arg8 : memref<!tpu.dma_semaphore, #tpu.memory_space<semaphore_mem>>)
      %dma_wait3A = arith.constant 0 : i32
      %dma_wait3A_142 = arith.constant 0 : i32
      %dma_wait3A_143 = arith.constant 0 : i32
      %dma_wait3A_144 = tpu.memref_slice %arg6[%dma_wait3A, %dma_wait3A_142, %dma_wait3A_143] : memref<8x64x128xf32, #tpu.memory_space<vmem>> -> memref<1x64x128xf32, #tpu.memory_space<vmem>>
      %dma_wait3A_145 = tpu.memref_squeeze %dma_wait3A_144 : memref<1x64x128xf32, #tpu.memory_space<vmem>> -> memref<64x128xf32, #tpu.memory_space<vmem>>
      %dma_wait3A_146 = arith.constant 0 : i32
      %dma_wait3A_147 = arith.constant 0 : i32
      %dma_wait3A_148 = tpu.memref_slice %arg3[%dma_wait3A_146, %dma_wait3A_147] : memref<64x1000000xf32, #tpu.memory_space<hbm>> -> memref<64x128xf32, #tpu.memory_space<hbm>>
      %dma_wait3A_149 = arith.constant 0 : i32
      %dma_wait3A_150 = arith.constant 0 : i32
      %dma_wait3A_151 = tpu.memref_slice %arg6[%dma_wait3A, %dma_wait3A_149, %dma_wait3A_150] : memref<8x64x128xf32, #tpu.memory_space<vmem>> -> memref<1x64x128xf32, #tpu.memory_space<vmem>>
      %dma_wait3A_152 = tpu.memref_squeeze %dma_wait3A_151 : memref<1x64x128xf32, #tpu.memory_space<vmem>> -> memref<64x128xf32, #tpu.memory_space<vmem>>
      %dma_wait3A_153 = arith.constant 0 : i32
      %dma_wait3A_154 = arith.constant 0 : i32
      %dma_wait3A_155 = tpu.memref_slice %arg3[%dma_wait3A_153, %dma_wait3A_154] : memref<64x1000000xf32, #tpu.memory_space<hbm>> -> memref<64x128xf32, #tpu.memory_space<hbm>>
      tpu.wait_dma2 semaphore(%arg8 : memref<!tpu.dma_semaphore, #tpu.memory_space<semaphore_mem>>) src(%dma_wait3A_155 : memref<64x128xf32, #tpu.memory_space<hbm>>) dst(%dma_wait3A_152 : memref<64x128xf32, #tpu.memory_space<vmem>>)
      %slice3A_156 = vector.extract_strided_slice %and3A_17 {offsets = [0], sizes = [1], strides = [1]} : vector<16xi32> to vector<1xi32>
      %squeeze3A_157 = vector.extract %slice3A_156[0] : i32 from vector<1xi32>
      %mul3A_158 = arith.constant 16 : i32
      %mul3A_159 = arith.muli %scan3A_8, %mul3A_158 : i32
      %add3A_160 = arith.constant 0 : i32
      %add3A_161 = arith.addi %mul3A_159, %add3A_160 : i32
      %add3A_162 = arith.constant 0 : i32
      %add3A_163 = vector.broadcast %add3A_162 : i32 to vector<16xi32>
      %add3A_164 = arith.addi %iota3A, %add3A_163 : vector<16xi32>
      %broadcast_in_dim3A = vector.broadcast %squeeze3A_157 : i32 to vector<16xi32>
      %gather3A = arith.constant 0 : i32
      %gather3A_165 = arith.constant 0 : i32
      %gather3A_166 = arith.constant 0 : i32
      %gather3A_167 = tpu.memref_slice %arg6[%gather3A, %gather3A_165, %gather3A_166] : memref<8x64x128xf32, #tpu.memory_space<vmem>> -> memref<1x64x128xf32, #tpu.memory_space<vmem>>
      %gather3A_168 = tpu.memref_squeeze %gather3A_167 : memref<1x64x128xf32, #tpu.memory_space<vmem>> -> memref<64x128xf32, #tpu.memory_space<vmem>>
      %gather3A_169 = tpu.vector_load_idx %gather3A_168[%add3A_164, %broadcast_in_dim3A] : memref<64x128xf32, #tpu.memory_space<vmem>>[vector<16xi32>, vector<16xi32>], vector<16xf32>,
      %broadcast_in_dim3A_170 = vector.broadcast %add3A_161 : i32 to vector<16xi32>
      tpu.vector_store_idx %arg7[%add3A_164, %broadcast_in_dim3A_170], %gather3A_169 : memref<64x512xf32, #tpu.memory_space<vmem>>[vector<16xi32>, vector<16xi32>], vector<16xf32>,
      %add3A_171 = arith.constant 16 : i32
      %add3A_172 = vector.broadcast %add3A_171 : i32 to vector<16xi32>
      %add3A_173 = arith.addi %iota3A, %add3A_172 : vector<16xi32>
      %broadcast_in_dim3A_174 = vector.broadcast %squeeze3A_157 : i32 to vector<16xi32>
      %gather3A_175 = arith.constant 0 : i32
      %gather3A_176 = arith.constant 0 : i32
      %gather3A_177 = arith.constant 0 : i32
      %gather3A_178 = tpu.memref_slice %arg6[%gather3A_175, %gather3A_176, %gather3A_177] : memref<8x64x128xf32, #tpu.memory_space<vmem>> -> memref<1x64x128xf32, #tpu.memory_space<vmem>>
      %gather3A_179 = tpu.memref_squeeze %gather3A_178 : memref<1x64x128xf32, #tpu.memory_space<vmem>> -> memref<64x128xf32, #tpu.memory_space<vmem>>
      %gather3A_180 = tpu.vector_load_idx %gather3A_179[%add3A_173, %broadcast_in_dim3A_174] : memref<64x128xf32, #tpu.memory_space<vmem>>[vector<16xi32>, vector<16xi32>], vector<16xf32>,
      %broadcast_in_dim3A_181 = vector.broadcast %add3A_161 : i32 to vector<16xi32>
      tpu.vector_store_idx %arg7[%add3A_173, %broadcast_in_dim3A_181], %gather3A_180 : memref<64x512xf32, #tpu.memory_space<vmem>>[vector<16xi32>, vector<16xi32>], vector<16xf32>,
      %add3A_182 = arith.constant 32 : i32
      %add3A_183 = vector.broadcast %add3A_182 : i32 to vector<16xi32>
      %add3A_184 = arith.addi %iota3A, %add3A_183 : vector<16xi32>
      %broadcast_in_dim3A_185 = vector.broadcast %squeeze3A_157 : i32 to vector<16xi32>
      %gather3A_186 = arith.constant 0 : i32
      %gather3A_187 = arith.constant 0 : i32
      %gather3A_188 = arith.constant 0 : i32
      %gather3A_189 = tpu.memref_slice %arg6[%gather3A_186, %gather3A_187, %gather3A_188] : memref<8x64x128xf32, #tpu.memory_space<vmem>> -> memref<1x64x128xf32, #tpu.memory_space<vmem>>
      %gather3A_190 = tpu.memref_squeeze %gather3A_189 : memref<1x64x128xf32, #tpu.memory_space<vmem>> -> memref<64x128xf32, #tpu.memory_space<vmem>>
      %gather3A_191 = tpu.vector_load_idx %gather3A_190[%add3A_184, %broadcast_in_dim3A_185] : memref<64x128xf32, #tpu.memory_space<vmem>>[vector<16xi32>, vector<16xi32>], vector<16xf32>,
      %broadcast_in_dim3A_192 = vector.broadcast %add3A_161 : i32 to vector<16xi32>
      tpu.vector_store_idx %arg7[%add3A_184, %broadcast_in_dim3A_192], %gather3A_191 : memref<64x512xf32, #tpu.memory_space<vmem>>[vector<16xi32>, vector<16xi32>], vector<16xf32>,
      %add3A_193 = arith.constant 48 : i32
      %add3A_194 = vector.broadcast %add3A_193 : i32 to vector<16xi32>
      %add3A_195 = arith.addi %iota3A, %add3A_194 : vector<16xi32>
      %broadcast_in_dim3A_196 = vector.broadcast %squeeze3A_157 : i32 to vector<16xi32>
      %gather3A_197 = arith.constant 0 : i32
      %gather3A_198 = arith.constant 0 : i32
      %gather3A_199 = arith.constant 0 : i32
      %gather3A_200 = tpu.memref_slice %arg6[%gather3A_197, %gather3A_198, %gather3A_199] : memref<8x64x128xf32, #tpu.memory_space<vmem>> -> memref<1x64x128xf32, #tpu.memory_space<vmem>>
      %gather3A_201 = tpu.memref_squeeze %gather3A_200 : memref<1x64x128xf32, #tpu.memory_space<vmem>> -> memref<64x128xf32, #tpu.memory_space<vmem>>
      %gather3A_202 = tpu.vector_load_idx %gather3A_201[%add3A_195, %broadcast_in_dim3A_196] : memref<64x128xf32, #tpu.memory_space<vmem>>[vector<16xi32>, vector<16xi32>], vector<16xf32>,
      %broadcast_in_dim3A_203 = vector.broadcast %add3A_161 : i32 to vector<16xi32>
      tpu.vector_store_idx %arg7[%add3A_195, %broadcast_in_dim3A_203], %gather3A_202 : memref<64x512xf32, #tpu.memory_space<vmem>>[vector<16xi32>, vector<16xi32>], vector<16xf32>,
      %slice3A_204 = vector.extract_strided_slice %shift_left3A_15 {offsets = [8], sizes = [1], strides = [1]} : vector<16xi32> to vector<1xi32>
      %squeeze3A_205 = vector.extract %slice3A_204[0] : i32 from vector<1xi32>
      %multiple_of3A_206 = tpu.assume_multiple %squeeze3A_205, 128 : i32
      %dma_start3A_207 = arith.constant 0 : i32
      %dma_start3A_208 = arith.constant 0 : i32
      %dma_start3A_209 = arith.constant 0 : i32
      %dma_start3A_210 = tpu.memref_slice %arg6[%dma_start3A_207, %dma_start3A_208, %dma_start3A_209] : memref<8x64x128xf32, #tpu.memory_space<vmem>> -> memref<1x64x128xf32, #tpu.memory_space<vmem>>
      %dma_start3A_211 = tpu.memref_squeeze %dma_start3A_210 : memref<1x64x128xf32, #tpu.memory_space<vmem>> -> memref<64x128xf32, #tpu.memory_space<vmem>>
      %dma_start3A_212 = arith.constant 0 : i32
      %dma_start3A_213 = tpu.memref_slice %arg3[%dma_start3A_212, %multiple_of3A_206] : memref<64x1000000xf32, #tpu.memory_space<hbm>> -> memref<64x128xf32, #tpu.memory_space<hbm>>
      %dma_start3A_214 = arith.constant 0 : i32
      %dma_start3A_215 = arith.constant 0 : i32
      %dma_start3A_216 = tpu.memref_slice %arg6[%dma_start3A_207, %dma_start3A_214, %dma_start3A_215] : memref<8x64x128xf32, #tpu.memory_space<vmem>> -> memref<1x64x128xf32, #tpu.memory_space<vmem>>
      %dma_start3A_217 = tpu.memref_squeeze %dma_start3A_216 : memref<1x64x128xf32, #tpu.memory_space<vmem>> -> memref<64x128xf32, #tpu.memory_space<vmem>>
      %dma_start3A_218 = arith.constant 0 : i32
      %dma_start3A_219 = tpu.memref_slice %arg3[%dma_start3A_218, %multiple_of3A_206] : memref<64x1000000xf32, #tpu.memory_space<hbm>> -> memref<64x128xf32, #tpu.memory_space<hbm>>
      tpu.enqueue_dma source(%dma_start3A_219 : memref<64x128xf32, #tpu.memory_space<hbm>>) target(%dma_start3A_217 : memref<64x128xf32, #tpu.memory_space<vmem>>) target_semaphore(%arg8 : memref<!tpu.dma_semaphore, #tpu.memory_space<semaphore_mem>>)
      %dma_wait3A_220 = arith.constant 1 : i32
      %dma_wait3A_221 = arith.constant 0 : i32
      %dma_wait3A_222 = arith.constant 0 : i32
      %dma_wait3A_223 = tpu.memref_slice %arg6[%dma_wait3A_220, %dma_wait3A_221, %dma_wait3A_222] : memref<8x64x128xf32, #tpu.memory_space<vmem>> -> memref<1x64x128xf32, #tpu.memory_space<vmem>>
      %dma_wait3A_224 = tpu.memref_squeeze %dma_wait3A_223 : memref<1x64x128xf32, #tpu.memory_space<vmem>> -> memref<64x128xf32, #tpu.memory_space<vmem>>
      %dma_wait3A_225 = arith.constant 0 : i32
      %dma_wait3A_226 = arith.constant 0 : i32
      %dma_wait3A_227 = tpu.memref_slice %arg3[%dma_wait3A_225, %dma_wait3A_226] : memref<64x1000000xf32, #tpu.memory_space<hbm>> -> memref<64x128xf32, #tpu.memory_space<hbm>>
      %dma_wait3A_228 = arith.constant 0 : i32
      %dma_wait3A_229 = arith.constant 0 : i32
      %dma_wait3A_230 = tpu.memref_slice %arg6[%dma_wait3A_220, %dma_wait3A_228, %dma_wait3A_229] : memref<8x64x128xf32, #tpu.memory_space<vmem>> -> memref<1x64x128xf32, #tpu.memory_space<vmem>>
      %dma_wait3A_231 = tpu.memref_squeeze %dma_wait3A_230 : memref<1x64x128xf32, #tpu.memory_space<vmem>> -> memref<64x128xf32, #tpu.memory_space<vmem>>
      %dma_wait3A_232 = arith.constant 0 : i32
      %dma_wait3A_233 = arith.constant 0 : i32
      %dma_wait3A_234 = tpu.memref_slice %arg3[%dma_wait3A_232, %dma_wait3A_233] : memref<64x1000000xf32, #tpu.memory_space<hbm>> -> memref<64x128xf32, #tpu.memory_space<hbm>>
      tpu.wait_dma2 semaphore(%arg8 : memref<!tpu.dma_semaphore, #tpu.memory_space<semaphore_mem>>) src(%dma_wait3A_234 : memref<64x128xf32, #tpu.memory_space<hbm>>) dst(%dma_wait3A_231 : memref<64x128xf32, #tpu.memory_space<vmem>>)
      %slice3A_235 = vector.extract_strided_slice %and3A_17 {offsets = [1], sizes = [1], strides = [1]} : vector<16xi32> to vector<1xi32>
      %squeeze3A_236 = vector.extract %slice3A_235[0] : i32 from vector<1xi32>
      %mul3A_237 = arith.constant 16 : i32
      %mul3A_238 = arith.muli %scan3A_8, %mul3A_237 : i32
      %add3A_239 = arith.constant 1 : i32
      %add3A_240 = arith.addi %mul3A_238, %add3A_239 : i32
      %add3A_241 = arith.constant 0 : i32
      %add3A_242 = vector.broadcast %add3A_241 : i32 to vector<16xi32>
      %add3A_243 = arith.addi %iota3A, %add3A_242 : vector<16xi32>
      %broadcast_in_dim3A_244 = vector.broadcast %squeeze3A_236 : i32 to vector<16xi32>
      %gather3A_245 = arith.constant 1 : i32
      %gather3A_246 = arith.constant 0 : i32
      %gather3A_247 = arith.constant 0 : i32
      %gather3A_248 = tpu.memref_slice %arg6[%gather3A_245, %gather3A_246, %gather3A_247] : memref<8x64x128xf32, #tpu.memory_space<vmem>> -> memref<1x64x128xf32, #tpu.memory_space<vmem>>
      %gather3A_249 = tpu.memref_squeeze %gather3A_248 : memref<1x64x128xf32, #tpu.memory_space<vmem>> -> memref<64x128xf32, #tpu.memory_space<vmem>>
      %gather3A_250 = tpu.vector_load_idx %gather3A_249[%add3A_243, %broadcast_in_dim3A_244] : memref<64x128xf32, #tpu.memory_space<vmem>>[vector<16xi32>, vector<16xi32>], vector<16xf32>,
      %broadcast_in_dim3A_251 = vector.broadcast %add3A_240 : i32 to vector<16xi32>
      tpu.vector_store_idx %arg7[%add3A_243, %broadcast_in_dim3A_251], %gather3A_250 : memref<64x512xf32, #tpu.memory_space<vmem>>[vector<16xi32>, vector<16xi32>], vector<16xf32>,
      %add3A_252 = arith.constant 16 : i32
      %add3A_253 = vector.broadcast %add3A_252 : i32 to vector<16xi32>
      %add3A_254 = arith.addi %iota3A, %add3A_253 : vector<16xi32>
      %broadcast_in_dim3A_255 = vector.broadcast %squeeze3A_236 : i32 to vector<16xi32>
      %gather3A_256 = arith.constant 1 : i32
      %gather3A_257 = arith.constant 0 : i32
      %gather3A_258 = arith.constant 0 : i32
      %gather3A_259 = tpu.memref_slice %arg6[%gather3A_256, %gather3A_257, %gather3A_258] : memref<8x64x128xf32, #tpu.memory_space<vmem>> -> memref<1x64x128xf32, #tpu.memory_space<vmem>>
      %gather3A_260 = tpu.memref_squeeze %gather3A_259 : memref<1x64x128xf32, #tpu.memory_space<vmem>> -> memref<64x128xf32, #tpu.memory_space<vmem>>
      %gather3A_261 = tpu.vector_load_idx %gather3A_260[%add3A_254, %broadcast_in_dim3A_255] : memref<64x128xf32, #tpu.memory_space<vmem>>[vector<16xi32>, vector<16xi32>], vector<16xf32>,
      %broadcast_in_dim3A_262 = vector.broadcast %add3A_240 : i32 to vector<16xi32>
      tpu.vector_store_idx %arg7[%add3A_254, %broadcast_in_dim3A_262], %gather3A_261 : memref<64x512xf32, #tpu.memory_space<vmem>>[vector<16xi32>, vector<16xi32>], vector<16xf32>,
      %add3A_263 = arith.constant 32 : i32
      %add3A_264 = vector.broadcast %add3A_263 : i32 to vector<16xi32>
      %add3A_265 = arith.addi %iota3A, %add3A_264 : vector<16xi32>
      %broadcast_in_dim3A_266 = vector.broadcast %squeeze3A_236 : i32 to vector<16xi32>
      %gather3A_267 = arith.constant 1 : i32
      %gather3A_268 = arith.constant 0 : i32
      %gather3A_269 = arith.constant 0 : i32
      %gather3A_270 = tpu.memref_slice %arg6[%gather3A_267, %gather3A_268, %gather3A_269] : memref<8x64x128xf32, #tpu.memory_space<vmem>> -> memref<1x64x128xf32, #tpu.memory_space<vmem>>
      %gather3A_271 = tpu.memref_squeeze %gather3A_270 : memref<1x64x128xf32, #tpu.memory_space<vmem>> -> memref<64x128xf32, #tpu.memory_space<vmem>>
      %gather3A_272 = tpu.vector_load_idx %gather3A_271[%add3A_265, %broadcast_in_dim3A_266] : memref<64x128xf32, #tpu.memory_space<vmem>>[vector<16xi32>, vector<16xi32>], vector<16xf32>,
      %broadcast_in_dim3A_273 = vector.broadcast %add3A_240 : i32 to vector<16xi32>
      tpu.vector_store_idx %arg7[%add3A_265, %broadcast_in_dim3A_273], %gather3A_272 : memref<64x512xf32, #tpu.memory_space<vmem>>[vector<16xi32>, vector<16xi32>], vector<16xf32>,
      %add3A_274 = arith.constant 48 : i32
      %add3A_275 = vector.broadcast %add3A_274 : i32 to vector<16xi32>
      %add3A_276 = arith.addi %iota3A, %add3A_275 : vector<16xi32>
      %broadcast_in_dim3A_277 = vector.broadcast %squeeze3A_236 : i32 to vector<16xi32>
      %gather3A_278 = arith.constant 1 : i32
      %gather3A_279 = arith.constant 0 : i32
      %gather3A_280 = arith.constant 0 : i32
      %gather3A_281 = tpu.memref_slice %arg6[%gather3A_278, %gather3A_279, %gather3A_280] : memref<8x64x128xf32, #tpu.memory_space<vmem>> -> memref<1x64x128xf32, #tpu.memory_space<vmem>>
      %gather3A_282 = tpu.memref_squeeze %gather3A_281 : memref<1x64x128xf32, #tpu.memory_space<vmem>> -> memref<64x128xf32, #tpu.memory_space<vmem>>
      %gather3A_283 = tpu.vector_load_idx %gather3A_282[%add3A_276, %broadcast_in_dim3A_277] : memref<64x128xf32, #tpu.memory_space<vmem>>[vector<16xi32>, vector<16xi32>], vector<16xf32>,
      %broadcast_in_dim3A_284 = vector.broadcast %add3A_240 : i32 to vector<16xi32>
      tpu.vector_store_idx %arg7[%add3A_276, %broadcast_in_dim3A_284], %gather3A_283 : memref<64x512xf32, #tpu.memory_space<vmem>>[vector<16xi32>, vector<16xi32>], vector<16xf32>,
      %slice3A_285 = vector.extract_strided_slice %shift_left3A_15 {offsets = [9], sizes = [1], strides = [1]} : vector<16xi32> to vector<1xi32>
      %squeeze3A_286 = vector.extract %slice3A_285[0] : i32 from vector<1xi32>
      %multiple_of3A_287 = tpu.assume_multiple %squeeze3A_286, 128 : i32
      %dma_start3A_288 = arith.constant 1 : i32
      %dma_start3A_289 = arith.constant 0 : i32
      %dma_start3A_290 = arith.constant 0 : i32
      %dma_start3A_291 = tpu.memref_slice %arg6[%dma_start3A_288, %dma_start3A_289, %dma_start3A_290] : memref<8x64x128xf32, #tpu.memory_space<vmem>> -> memref<1x64x128xf32, #tpu.memory_space<vmem>>
      %dma_start3A_292 = tpu.memref_squeeze %dma_start3A_291 : memref<1x64x128xf32, #tpu.memory_space<vmem>> -> memref<64x128xf32, #tpu.memory_space<vmem>>
      %dma_start3A_293 = arith.constant 0 : i32
      %dma_start3A_294 = tpu.memref_slice %arg3[%dma_start3A_293, %multiple_of3A_287] : memref<64x1000000xf32, #tpu.memory_space<hbm>> -> memref<64x128xf32, #tpu.memory_space<hbm>>
      %dma_start3A_295 = arith.constant 0 : i32
      %dma_start3A_296 = arith.constant 0 : i32
      %dma_start3A_297 = tpu.memref_slice %arg6[%dma_start3A_288, %dma_start3A_295, %dma_start3A_296] : memref<8x64x128xf32, #tpu.memory_space<vmem>> -> memref<1x64x128xf32, #tpu.memory_space<vmem>>
      %dma_start3A_298 = tpu.memref_squeeze %dma_start3A_297 : memref<1x64x128xf32, #tpu.memory_space<vmem>> -> memref<64x128xf32, #tpu.memory_space<vmem>>
      %dma_start3A_299 = arith.constant 0 : i32
      %dma_start3A_300 = tpu.memref_slice %arg3[%dma_start3A_299, %multiple_of3A_287] : memref<64x1000000xf32, #tpu.memory_space<hbm>> -> memref<64x128xf32, #tpu.memory_space<hbm>>
      tpu.enqueue_dma source(%dma_start3A_300 : memref<64x128xf32, #tpu.memory_space<hbm>>) target(%dma_start3A_298 : memref<64x128xf32, #tpu.memory_space<vmem>>) target_semaphore(%arg8 : memref<!tpu.dma_semaphore, #tpu.memory_space<semaphore_mem>>)
      %dma_wait3A_301 = arith.constant 2 : i32
      %dma_wait3A_302 = arith.constant 0 : i32
      %dma_wait3A_303 = arith.constant 0 : i32
      %dma_wait3A_304 = tpu.memref_slice %arg6[%dma_wait3A_301, %dma_wait3A_302, %dma_wait3A_303] : memref<8x64x128xf32, #tpu.memory_space<vmem>> -> memref<1x64x128xf32, #tpu.memory_space<vmem>>
      %dma_wait3A_305 = tpu.memref_squeeze %dma_wait3A_304 : memref<1x64x128xf32, #tpu.memory_space<vmem>> -> memref<64x128xf32, #tpu.memory_space<vmem>>
      %dma_wait3A_306 = arith.constant 0 : i32
      %dma_wait3A_307 = arith.constant 0 : i32
      %dma_wait3A_308 = tpu.memref_slice %arg3[%dma_wait3A_306, %dma_wait3A_307] : memref<64x1000000xf32, #tpu.memory_space<hbm>> -> memref<64x128xf32, #tpu.memory_space<hbm>>
      %dma_wait3A_309 = arith.constant 0 : i32
      %dma_wait3A_310 = arith.constant 0 : i32
      %dma_wait3A_311 = tpu.memref_slice %arg6[%dma_wait3A_301, %dma_wait3A_309, %dma_wait3A_310] : memref<8x64x128xf32, #tpu.memory_space<vmem>> -> memref<1x64x128xf32, #tpu.memory_space<vmem>>
      %dma_wait3A_312 = tpu.memref_squeeze %dma_wait3A_311 : memref<1x64x128xf32, #tpu.memory_space<vmem>> -> memref<64x128xf32, #tpu.memory_space<vmem>>
      %dma_wait3A_313 = arith.constant 0 : i32
      %dma_wait3A_314 = arith.constant 0 : i32
      %dma_wait3A_315 = tpu.memref_slice %arg3[%dma_wait3A_313, %dma_wait3A_314] : memref<64x1000000xf32, #tpu.memory_space<hbm>> -> memref<64x128xf32, #tpu.memory_space<hbm>>
      tpu.wait_dma2 semaphore(%arg8 : memref<!tpu.dma_semaphore, #tpu.memory_space<semaphore_mem>>) src(%dma_wait3A_315 : memref<64x128xf32, #tpu.memory_space<hbm>>) dst(%dma_wait3A_312 : memref<64x128xf32, #tpu.memory_space<vmem>>)
      %slice3A_316 = vector.extract_strided_slice %and3A_17 {offsets = [2], sizes = [1], strides = [1]} : vector<16xi32> to vector<1xi32>
      %squeeze3A_317 = vector.extract %slice3A_316[0] : i32 from vector<1xi32>
      %mul3A_318 = arith.constant 16 : i32
      %mul3A_319 = arith.muli %scan3A_8, %mul3A_318 : i32
      %add3A_320 = arith.constant 2 : i32
      %add3A_321 = arith.addi %mul3A_319, %add3A_320 : i32
      %add3A_322 = arith.constant 0 : i32
      %add3A_323 = vector.broadcast %add3A_322 : i32 to vector<16xi32>
      %add3A_324 = arith.addi %iota3A, %add3A_323 : vector<16xi32>
      %broadcast_in_dim3A_325 = vector.broadcast %squeeze3A_317 : i32 to vector<16xi32>
      %gather3A_326 = arith.constant 2 : i32
      %gather3A_327 = arith.constant 0 : i32
      %gather3A_328 = arith.constant 0 : i32
      %gather3A_329 = tpu.memref_slice %arg6[%gather3A_326, %gather3A_327, %gather3A_328] : memref<8x64x128xf32, #tpu.memory_space<vmem>> -> memref<1x64x128xf32, #tpu.memory_space<vmem>>
      %gather3A_330 = tpu.memref_squeeze %gather3A_329 : memref<1x64x128xf32, #tpu.memory_space<vmem>> -> memref<64x128xf32, #tpu.memory_space<vmem>>
      %gather3A_331 = tpu.vector_load_idx %gather3A_330[%add3A_324, %broadcast_in_dim3A_325] : memref<64x128xf32, #tpu.memory_space<vmem>>[vector<16xi32>, vector<16xi32>], vector<16xf32>,
      %broadcast_in_dim3A_332 = vector.broadcast %add3A_321 : i32 to vector<16xi32>
      tpu.vector_store_idx %arg7[%add3A_324, %broadcast_in_dim3A_332], %gather3A_331 : memref<64x512xf32, #tpu.memory_space<vmem>>[vector<16xi32>, vector<16xi32>], vector<16xf32>,
      %add3A_333 = arith.constant 16 : i32
      %add3A_334 = vector.broadcast %add3A_333 : i32 to vector<16xi32>
      %add3A_335 = arith.addi %iota3A, %add3A_334 : vector<16xi32>
      %broadcast_in_dim3A_336 = vector.broadcast %squeeze3A_317 : i32 to vector<16xi32>
      %gather3A_337 = arith.constant 2 : i32
      %gather3A_338 = arith.constant 0 : i32
      %gather3A_339 = arith.constant 0 : i32
      %gather3A_340 = tpu.memref_slice %arg6[%gather3A_337, %gather3A_338, %gather3A_339] : memref<8x64x128xf32, #tpu.memory_space<vmem>> -> memref<1x64x128xf32, #tpu.memory_space<vmem>>
      %gather3A_341 = tpu.memref_squeeze %gather3A_340 : memref<1x64x128xf32, #tpu.memory_space<vmem>> -> memref<64x128xf32, #tpu.memory_space<vmem>>
      %gather3A_342 = tpu.vector_load_idx %gather3A_341[%add3A_335, %broadcast_in_dim3A_336] : memref<64x128xf32, #tpu.memory_space<vmem>>[vector<16xi32>, vector<16xi32>], vector<16xf32>,
      %broadcast_in_dim3A_343 = vector.broadcast %add3A_321 : i32 to vector<16xi32>
      tpu.vector_store_idx %arg7[%add3A_335, %broadcast_in_dim3A_343], %gather3A_342 : memref<64x512xf32, #tpu.memory_space<vmem>>[vector<16xi32>, vector<16xi32>], vector<16xf32>,
      %add3A_344 = arith.constant 32 : i32
      %add3A_345 = vector.broadcast %add3A_344 : i32 to vector<16xi32>
      %add3A_346 = arith.addi %iota3A, %add3A_345 : vector<16xi32>
      %broadcast_in_dim3A_347 = vector.broadcast %squeeze3A_317 : i32 to vector<16xi32>
      %gather3A_348 = arith.constant 2 : i32
      %gather3A_349 = arith.constant 0 : i32
      %gather3A_350 = arith.constant 0 : i32
      %gather3A_351 = tpu.memref_slice %arg6[%gather3A_348, %gather3A_349, %gather3A_350] : memref<8x64x128xf32, #tpu.memory_space<vmem>> -> memref<1x64x128xf32, #tpu.memory_space<vmem>>
      %gather3A_352 = tpu.memref_squeeze %gather3A_351 : memref<1x64x128xf32, #tpu.memory_space<vmem>> -> memref<64x128xf32, #tpu.memory_space<vmem>>
      %gather3A_353 = tpu.vector_load_idx %gather3A_352[%add3A_346, %broadcast_in_dim3A_347] : memref<64x128xf32, #tpu.memory_space<vmem>>[vector<16xi32>, vector<16xi32>], vector<16xf32>,
      %broadcast_in_dim3A_354 = vector.broadcast %add3A_321 : i32 to vector<16xi32>
      tpu.vector_store_idx %arg7[%add3A_346, %broadcast_in_dim3A_354], %gather3A_353 : memref<64x512xf32, #tpu.memory_space<vmem>>[vector<16xi32>, vector<16xi32>], vector<16xf32>,
      %add3A_355 = arith.constant 48 : i32
      %add3A_356 = vector.broadcast %add3A_355 : i32 to vector<16xi32>
      %add3A_357 = arith.addi %iota3A, %add3A_356 : vector<16xi32>
      %broadcast_in_dim3A_358 = vector.broadcast %squeeze3A_317 : i32 to vector<16xi32>
      %gather3A_359 = arith.constant 2 : i32
      %gather3A_360 = arith.constant 0 : i32
      %gather3A_361 = arith.constant 0 : i32
      %gather3A_362 = tpu.memref_slice %arg6[%gather3A_359, %gather3A_360, %gather3A_361] : memref<8x64x128xf32, #tpu.memory_space<vmem>> -> memref<1x64x128xf32, #tpu.memory_space<vmem>>
      %gather3A_363 = tpu.memref_squeeze %gather3A_362 : memref<1x64x128xf32, #tpu.memory_space<vmem>> -> memref<64x128xf32, #tpu.memory_space<vmem>>
      %gather3A_364 = tpu.vector_load_idx %gather3A_363[%add3A_357, %broadcast_in_dim3A_358] : memref<64x128xf32, #tpu.memory_space<vmem>>[vector<16xi32>, vector<16xi32>], vector<16xf32>,
      %broadcast_in_dim3A_365 = vector.broadcast %add3A_321 : i32 to vector<16xi32>
      tpu.vector_store_idx %arg7[%add3A_357, %broadcast_in_dim3A_365], %gather3A_364 : memref<64x512xf32, #tpu.memory_space<vmem>>[vector<16xi32>, vector<16xi32>], vector<16xf32>,
      %slice3A_366 = vector.extract_strided_slice %shift_left3A_15 {offsets = [10], sizes = [1], strides = [1]} : vector<16xi32> to vector<1xi32>
      %squeeze3A_367 = vector.extract %slice3A_366[0] : i32 from vector<1xi32>
      %multiple_of3A_368 = tpu.assume_multiple %squeeze3A_367, 128 : i32
      %dma_start3A_369 = arith.constant 2 : i32
      %dma_start3A_370 = arith.constant 0 : i32
      %dma_start3A_371 = arith.constant 0 : i32
      %dma_start3A_372 = tpu.memref_slice %arg6[%dma_start3A_369, %dma_start3A_370, %dma_start3A_371] : memref<8x64x128xf32, #tpu.memory_space<vmem>> -> memref<1x64x128xf32, #tpu.memory_space<vmem>>
      %dma_start3A_373 = tpu.memref_squeeze %dma_start3A_372 : memref<1x64x128xf32, #tpu.memory_space<vmem>> -> memref<64x128xf32, #tpu.memory_space<vmem>>
      %dma_start3A_374 = arith.constant 0 : i32
      %dma_start3A_375 = tpu.memref_slice %arg3[%dma_start3A_374, %multiple_of3A_368] : memref<64x1000000xf32, #tpu.memory_space<hbm>> -> memref<64x128xf32, #tpu.memory_space<hbm>>
      %dma_start3A_376 = arith.constant 0 : i32
      %dma_start3A_377 = arith.constant 0 : i32
      %dma_start3A_378 = tpu.memref_slice %arg6[%dma_start3A_369, %dma_start3A_376, %dma_start3A_377] : memref<8x64x128xf32, #tpu.memory_space<vmem>> -> memref<1x64x128xf32, #tpu.memory_space<vmem>>
      %dma_start3A_379 = tpu.memref_squeeze %dma_start3A_378 : memref<1x64x128xf32, #tpu.memory_space<vmem>> -> memref<64x128xf32, #tpu.memory_space<vmem>>
      %dma_start3A_380 = arith.constant 0 : i32
      %dma_start3A_381 = tpu.memref_slice %arg3[%dma_start3A_380, %multiple_of3A_368] : memref<64x1000000xf32, #tpu.memory_space<hbm>> -> memref<64x128xf32, #tpu.memory_space<hbm>>
      tpu.enqueue_dma source(%dma_start3A_381 : memref<64x128xf32, #tpu.memory_space<hbm>>) target(%dma_start3A_379 : memref<64x128xf32, #tpu.memory_space<vmem>>) target_semaphore(%arg8 : memref<!tpu.dma_semaphore, #tpu.memory_space<semaphore_mem>>)
      %dma_wait3A_382 = arith.constant 3 : i32
      %dma_wait3A_383 = arith.constant 0 : i32
      %dma_wait3A_384 = arith.constant 0 : i32
      %dma_wait3A_385 = tpu.memref_slice %arg6[%dma_wait3A_382, %dma_wait3A_383, %dma_wait3A_384] : memref<8x64x128xf32, #tpu.memory_space<vmem>> -> memref<1x64x128xf32, #tpu.memory_space<vmem>>
      %dma_wait3A_386 = tpu.memref_squeeze %dma_wait3A_385 : memref<1x64x128xf32, #tpu.memory_space<vmem>> -> memref<64x128xf32, #tpu.memory_space<vmem>>
      %dma_wait3A_387 = arith.constant 0 : i32
      %dma_wait3A_388 = arith.constant 0 : i32
      %dma_wait3A_389 = tpu.memref_slice %arg3[%dma_wait3A_387, %dma_wait3A_388] : memref<64x1000000xf32, #tpu.memory_space<hbm>> -> memref<64x128xf32, #tpu.memory_space<hbm>>
      %dma_wait3A_390 = arith.constant 0 : i32
      %dma_wait3A_391 = arith.constant 0 : i32
      %dma_wait3A_392 = tpu.memref_slice %arg6[%dma_wait3A_382, %dma_wait3A_390, %dma_wait3A_391] : memref<8x64x128xf32, #tpu.memory_space<vmem>> -> memref<1x64x128xf32, #tpu.memory_space<vmem>>
      %dma_wait3A_393 = tpu.memref_squeeze %dma_wait3A_392 : memref<1x64x128xf32, #tpu.memory_space<vmem>> -> memref<64x128xf32, #tpu.memory_space<vmem>>
      %dma_wait3A_394 = arith.constant 0 : i32
      %dma_wait3A_395 = arith.constant 0 : i32
      %dma_wait3A_396 = tpu.memref_slice %arg3[%dma_wait3A_394, %dma_wait3A_395] : memref<64x1000000xf32, #tpu.memory_space<hbm>> -> memref<64x128xf32, #tpu.memory_space<hbm>>
      tpu.wait_dma2 semaphore(%arg8 : memref<!tpu.dma_semaphore, #tpu.memory_space<semaphore_mem>>) src(%dma_wait3A_396 : memref<64x128xf32, #tpu.memory_space<hbm>>) dst(%dma_wait3A_393 : memref<64x128xf32, #tpu.memory_space<vmem>>)
      %slice3A_397 = vector.extract_strided_slice %and3A_17 {offsets = [3], sizes = [1], strides = [1]} : vector<16xi32> to vector<1xi32>
      %squeeze3A_398 = vector.extract %slice3A_397[0] : i32 from vector<1xi32>
      %mul3A_399 = arith.constant 16 : i32
      %mul3A_400 = arith.muli %scan3A_8, %mul3A_399 : i32
      %add3A_401 = arith.constant 3 : i32
      %add3A_402 = arith.addi %mul3A_400, %add3A_401 : i32
      %add3A_403 = arith.constant 0 : i32
      %add3A_404 = vector.broadcast %add3A_403 : i32 to vector<16xi32>
      %add3A_405 = arith.addi %iota3A, %add3A_404 : vector<16xi32>
      %broadcast_in_dim3A_406 = vector.broadcast %squeeze3A_398 : i32 to vector<16xi32>
      %gather3A_407 = arith.constant 3 : i32
      %gather3A_408 = arith.constant 0 : i32
      %gather3A_409 = arith.constant 0 : i32
      %gather3A_410 = tpu.memref_slice %arg6[%gather3A_407, %gather3A_408, %gather3A_409] : memref<8x64x128xf32, #tpu.memory_space<vmem>> -> memref<1x64x128xf32, #tpu.memory_space<vmem>>
      %gather3A_411 = tpu.memref_squeeze %gather3A_410 : memref<1x64x128xf32, #tpu.memory_space<vmem>> -> memref<64x128xf32, #tpu.memory_space<vmem>>
      %gather3A_412 = tpu.vector_load_idx %gather3A_411[%add3A_405, %broadcast_in_dim3A_406] : memref<64x128xf32, #tpu.memory_space<vmem>>[vector<16xi32>, vector<16xi32>], vector<16xf32>,
      %broadcast_in_dim3A_413 = vector.broadcast %add3A_402 : i32 to vector<16xi32>
      tpu.vector_store_idx %arg7[%add3A_405, %broadcast_in_dim3A_413], %gather3A_412 : memref<64x512xf32, #tpu.memory_space<vmem>>[vector<16xi32>, vector<16xi32>], vector<16xf32>,
      %add3A_414 = arith.constant 16 : i32
      %add3A_415 = vector.broadcast %add3A_414 : i32 to vector<16xi32>
      %add3A_416 = arith.addi %iota3A, %add3A_415 : vector<16xi32>
      %broadcast_in_dim3A_417 = vector.broadcast %squeeze3A_398 : i32 to vector<16xi32>
      %gather3A_418 = arith.constant 3 : i32
      %gather3A_419 = arith.constant 0 : i32
      %gather3A_420 = arith.constant 0 : i32
      %gather3A_421 = tpu.memref_slice %arg6[%gather3A_418, %gather3A_419, %gather3A_420] : memref<8x64x128xf32, #tpu.memory_space<vmem>> -> memref<1x64x128xf32, #tpu.memory_space<vmem>>
      %gather3A_422 = tpu.memref_squeeze %gather3A_421 : memref<1x64x128xf32, #tpu.memory_space<vmem>> -> memref<64x128xf32, #tpu.memory_space<vmem>>
      %gather3A_423 = tpu.vector_load_idx %gather3A_422[%add3A_416, %broadcast_in_dim3A_417] : memref<64x128xf32, #tpu.memory_space<vmem>>[vector<16xi32>, vector<16xi32>], vector<16xf32>,
      %broadcast_in_dim3A_424 = vector.broadcast %add3A_402 : i32 to vector<16xi32>
      tpu.vector_store_idx %arg7[%add3A_416, %broadcast_in_dim3A_424], %gather3A_423 : memref<64x512xf32, #tpu.memory_space<vmem>>[vector<16xi32>, vector<16xi32>], vector<16xf32>,
      %add3A_425 = arith.constant 32 : i32
      %add3A_426 = vector.broadcast %add3A_425 : i32 to vector<16xi32>
      %add3A_427 = arith.addi %iota3A, %add3A_426 : vector<16xi32>
      %broadcast_in_dim3A_428 = vector.broadcast %squeeze3A_398 : i32 to vector<16xi32>
      %gather3A_429 = arith.constant 3 : i32
      %gather3A_430 = arith.constant 0 : i32
      %gather3A_431 = arith.constant 0 : i32
      %gather3A_432 = tpu.memref_slice %arg6[%gather3A_429, %gather3A_430, %gather3A_431] : memref<8x64x128xf32, #tpu.memory_space<vmem>> -> memref<1x64x128xf32, #tpu.memory_space<vmem>>
      %gather3A_433 = tpu.memref_squeeze %gather3A_432 : memref<1x64x128xf32, #tpu.memory_space<vmem>> -> memref<64x128xf32, #tpu.memory_space<vmem>>
      %gather3A_434 = tpu.vector_load_idx %gather3A_433[%add3A_427, %broadcast_in_dim3A_428] : memref<64x128xf32, #tpu.memory_space<vmem>>[vector<16xi32>, vector<16xi32>], vector<16xf32>,
      %broadcast_in_dim3A_435 = vector.broadcast %add3A_402 : i32 to vector<16xi32>
      tpu.vector_store_idx %arg7[%add3A_427, %broadcast_in_dim3A_435], %gather3A_434 : memref<64x512xf32, #tpu.memory_space<vmem>>[vector<16xi32>, vector<16xi32>], vector<16xf32>,
      %add3A_436 = arith.constant 48 : i32
      %add3A_437 = vector.broadcast %add3A_436 : i32 to vector<16xi32>
      %add3A_438 = arith.addi %iota3A, %add3A_437 : vector<16xi32>
      %broadcast_in_dim3A_439 = vector.broadcast %squeeze3A_398 : i32 to vector<16xi32>
      %gather3A_440 = arith.constant 3 : i32
      %gather3A_441 = arith.constant 0 : i32
      %gather3A_442 = arith.constant 0 : i32
      %gather3A_443 = tpu.memref_slice %arg6[%gather3A_440, %gather3A_441, %gather3A_442] : memref<8x64x128xf32, #tpu.memory_space<vmem>> -> memref<1x64x128xf32, #tpu.memory_space<vmem>>
      %gather3A_444 = tpu.memref_squeeze %gather3A_443 : memref<1x64x128xf32, #tpu.memory_space<vmem>> -> memref<64x128xf32, #tpu.memory_space<vmem>>
      %gather3A_445 = tpu.vector_load_idx %gather3A_444[%add3A_438, %broadcast_in_dim3A_439] : memref<64x128xf32, #tpu.memory_space<vmem>>[vector<16xi32>, vector<16xi32>], vector<16xf32>,
      %broadcast_in_dim3A_446 = vector.broadcast %add3A_402 : i32 to vector<16xi32>
      tpu.vector_store_idx %arg7[%add3A_438, %broadcast_in_dim3A_446], %gather3A_445 : memref<64x512xf32, #tpu.memory_space<vmem>>[vector<16xi32>, vector<16xi32>], vector<16xf32>,
      %slice3A_447 = vector.extract_strided_slice %shift_left3A_15 {offsets = [11], sizes = [1], strides = [1]} : vector<16xi32> to vector<1xi32>
      %squeeze3A_448 = vector.extract %slice3A_447[0] : i32 from vector<1xi32>
      %multiple_of3A_449 = tpu.assume_multiple %squeeze3A_448, 128 : i32
      %dma_start3A_450 = arith.constant 3 : i32
      %dma_start3A_451 = arith.constant 0 : i32
      %dma_start3A_452 = arith.constant 0 : i32
      %dma_start3A_453 = tpu.memref_slice %arg6[%dma_start3A_450, %dma_start3A_451, %dma_start3A_452] : memref<8x64x128xf32, #tpu.memory_space<vmem>> -> memref<1x64x128xf32, #tpu.memory_space<vmem>>
      %dma_start3A_454 = tpu.memref_squeeze %dma_start3A_453 : memref<1x64x128xf32, #tpu.memory_space<vmem>> -> memref<64x128xf32, #tpu.memory_space<vmem>>
      %dma_start3A_455 = arith.constant 0 : i32
      %dma_start3A_456 = tpu.memref_slice %arg3[%dma_start3A_455, %multiple_of3A_449] : memref<64x1000000xf32, #tpu.memory_space<hbm>> -> memref<64x128xf32, #tpu.memory_space<hbm>>
      %dma_start3A_457 = arith.constant 0 : i32
      %dma_start3A_458 = arith.constant 0 : i32
      %dma_start3A_459 = tpu.memref_slice %arg6[%dma_start3A_450, %dma_start3A_457, %dma_start3A_458] : memref<8x64x128xf32, #tpu.memory_space<vmem>> -> memref<1x64x128xf32, #tpu.memory_space<vmem>>
      %dma_start3A_460 = tpu.memref_squeeze %dma_start3A_459 : memref<1x64x128xf32, #tpu.memory_space<vmem>> -> memref<64x128xf32, #tpu.memory_space<vmem>>
      %dma_start3A_461 = arith.constant 0 : i32
      %dma_start3A_462 = tpu.memref_slice %arg3[%dma_start3A_461, %multiple_of3A_449] : memref<64x1000000xf32, #tpu.memory_space<hbm>> -> memref<64x128xf32, #tpu.memory_space<hbm>>
      tpu.enqueue_dma source(%dma_start3A_462 : memref<64x128xf32, #tpu.memory_space<hbm>>) target(%dma_start3A_460 : memref<64x128xf32, #tpu.memory_space<vmem>>) target_semaphore(%arg8 : memref<!tpu.dma_semaphore, #tpu.memory_space<semaphore_mem>>)
      %dma_wait3A_463 = arith.constant 4 : i32
      %dma_wait3A_464 = arith.constant 0 : i32
      %dma_wait3A_465 = arith.constant 0 : i32
      %dma_wait3A_466 = tpu.memref_slice %arg6[%dma_wait3A_463, %dma_wait3A_464, %dma_wait3A_465] : memref<8x64x128xf32, #tpu.memory_space<vmem>> -> memref<1x64x128xf32, #tpu.memory_space<vmem>>
      %dma_wait3A_467 = tpu.memref_squeeze %dma_wait3A_466 : memref<1x64x128xf32, #tpu.memory_space<vmem>> -> memref<64x128xf32, #tpu.memory_space<vmem>>
      %dma_wait3A_468 = arith.constant 0 : i32
      %dma_wait3A_469 = arith.constant 0 : i32
      %dma_wait3A_470 = tpu.memref_slice %arg3[%dma_wait3A_468, %dma_wait3A_469] : memref<64x1000000xf32, #tpu.memory_space<hbm>> -> memref<64x128xf32, #tpu.memory_space<hbm>>
      %dma_wait3A_471 = arith.constant 0 : i32
      %dma_wait3A_472 = arith.constant 0 : i32
      %dma_wait3A_473 = tpu.memref_slice %arg6[%dma_wait3A_463, %dma_wait3A_471, %dma_wait3A_472] : memref<8x64x128xf32, #tpu.memory_space<vmem>> -> memref<1x64x128xf32, #tpu.memory_space<vmem>>
      %dma_wait3A_474 = tpu.memref_squeeze %dma_wait3A_473 : memref<1x64x128xf32, #tpu.memory_space<vmem>> -> memref<64x128xf32, #tpu.memory_space<vmem>>
      %dma_wait3A_475 = arith.constant 0 : i32
      %dma_wait3A_476 = arith.constant 0 : i32
      %dma_wait3A_477 = tpu.memref_slice %arg3[%dma_wait3A_475, %dma_wait3A_476] : memref<64x1000000xf32, #tpu.memory_space<hbm>> -> memref<64x128xf32, #tpu.memory_space<hbm>>
      tpu.wait_dma2 semaphore(%arg8 : memref<!tpu.dma_semaphore, #tpu.memory_space<semaphore_mem>>) src(%dma_wait3A_477 : memref<64x128xf32, #tpu.memory_space<hbm>>) dst(%dma_wait3A_474 : memref<64x128xf32, #tpu.memory_space<vmem>>)
      %slice3A_478 = vector.extract_strided_slice %and3A_17 {offsets = [4], sizes = [1], strides = [1]} : vector<16xi32> to vector<1xi32>
      %squeeze3A_479 = vector.extract %slice3A_478[0] : i32 from vector<1xi32>
      %mul3A_480 = arith.constant 16 : i32
      %mul3A_481 = arith.muli %scan3A_8, %mul3A_480 : i32
      %add3A_482 = arith.constant 4 : i32
      %add3A_483 = arith.addi %mul3A_481, %add3A_482 : i32
      %add3A_484 = arith.constant 0 : i32
      %add3A_485 = vector.broadcast %add3A_484 : i32 to vector<16xi32>
      %add3A_486 = arith.addi %iota3A, %add3A_485 : vector<16xi32>
      %broadcast_in_dim3A_487 = vector.broadcast %squeeze3A_479 : i32 to vector<16xi32>
      %gather3A_488 = arith.constant 4 : i32
      %gather3A_489 = arith.constant 0 : i32
      %gather3A_490 = arith.constant 0 : i32
      %gather3A_491 = tpu.memref_slice %arg6[%gather3A_488, %gather3A_489, %gather3A_490] : memref<8x64x128xf32, #tpu.memory_space<vmem>> -> memref<1x64x128xf32, #tpu.memory_space<vmem>>
      %gather3A_492 = tpu.memref_squeeze %gather3A_491 : memref<1x64x128xf32, #tpu.memory_space<vmem>> -> memref<64x128xf32, #tpu.memory_space<vmem>>
      %gather3A_493 = tpu.vector_load_idx %gather3A_492[%add3A_486, %broadcast_in_dim3A_487] : memref<64x128xf32, #tpu.memory_space<vmem>>[vector<16xi32>, vector<16xi32>], vector<16xf32>,
      %broadcast_in_dim3A_494 = vector.broadcast %add3A_483 : i32 to vector<16xi32>
      tpu.vector_store_idx %arg7[%add3A_486, %broadcast_in_dim3A_494], %gather3A_493 : memref<64x512xf32, #tpu.memory_space<vmem>>[vector<16xi32>, vector<16xi32>], vector<16xf32>,
      %add3A_495 = arith.constant 16 : i32
      %add3A_496 = vector.broadcast %add3A_495 : i32 to vector<16xi32>
      %add3A_497 = arith.addi %iota3A, %add3A_496 : vector<16xi32>
      %broadcast_in_dim3A_498 = vector.broadcast %squeeze3A_479 : i32 to vector<16xi32>
      %gather3A_499 = arith.constant 4 : i32
      %gather3A_500 = arith.constant 0 : i32
      %gather3A_501 = arith.constant 0 : i32
      %gather3A_502 = tpu.memref_slice %arg6[%gather3A_499, %gather3A_500, %gather3A_501] : memref<8x64x128xf32, #tpu.memory_space<vmem>> -> memref<1x64x128xf32, #tpu.memory_space<vmem>>
      %gather3A_503 = tpu.memref_squeeze %gather3A_502 : memref<1x64x128xf32, #tpu.memory_space<vmem>> -> memref<64x128xf32, #tpu.memory_space<vmem>>
      %gather3A_504 = tpu.vector_load_idx %gather3A_503[%add3A_497, %broadcast_in_dim3A_498] : memref<64x128xf32, #tpu.memory_space<vmem>>[vector<16xi32>, vector<16xi32>], vector<16xf32>,
      %broadcast_in_dim3A_505 = vector.broadcast %add3A_483 : i32 to vector<16xi32>
      tpu.vector_store_idx %arg7[%add3A_497, %broadcast_in_dim3A_505], %gather3A_504 : memref<64x512xf32, #tpu.memory_space<vmem>>[vector<16xi32>, vector<16xi32>], vector<16xf32>,
      %add3A_506 = arith.constant 32 : i32
      %add3A_507 = vector.broadcast %add3A_506 : i32 to vector<16xi32>
      %add3A_508 = arith.addi %iota3A, %add3A_507 : vector<16xi32>
      %broadcast_in_dim3A_509 = vector.broadcast %squeeze3A_479 : i32 to vector<16xi32>
      %gather3A_510 = arith.constant 4 : i32
      %gather3A_511 = arith.constant 0 : i32
      %gather3A_512 = arith.constant 0 : i32
      %gather3A_513 = tpu.memref_slice %arg6[%gather3A_510, %gather3A_511, %gather3A_512] : memref<8x64x128xf32, #tpu.memory_space<vmem>> -> memref<1x64x128xf32, #tpu.memory_space<vmem>>
      %gather3A_514 = tpu.memref_squeeze %gather3A_513 : memref<1x64x128xf32, #tpu.memory_space<vmem>> -> memref<64x128xf32, #tpu.memory_space<vmem>>
      %gather3A_515 = tpu.vector_load_idx %gather3A_514[%add3A_508, %broadcast_in_dim3A_509] : memref<64x128xf32, #tpu.memory_space<vmem>>[vector<16xi32>, vector<16xi32>], vector<16xf32>,
      %broadcast_in_dim3A_516 = vector.broadcast %add3A_483 : i32 to vector<16xi32>
      tpu.vector_store_idx %arg7[%add3A_508, %broadcast_in_dim3A_516], %gather3A_515 : memref<64x512xf32, #tpu.memory_space<vmem>>[vector<16xi32>, vector<16xi32>], vector<16xf32>,
      %add3A_517 = arith.constant 48 : i32
      %add3A_518 = vector.broadcast %add3A_517 : i32 to vector<16xi32>
      %add3A_519 = arith.addi %iota3A, %add3A_518 : vector<16xi32>
      %broadcast_in_dim3A_520 = vector.broadcast %squeeze3A_479 : i32 to vector<16xi32>
      %gather3A_521 = arith.constant 4 : i32
      %gather3A_522 = arith.constant 0 : i32
      %gather3A_523 = arith.constant 0 : i32
      %gather3A_524 = tpu.memref_slice %arg6[%gather3A_521, %gather3A_522, %gather3A_523] : memref<8x64x128xf32, #tpu.memory_space<vmem>> -> memref<1x64x128xf32, #tpu.memory_space<vmem>>
      %gather3A_525 = tpu.memref_squeeze %gather3A_524 : memref<1x64x128xf32, #tpu.memory_space<vmem>> -> memref<64x128xf32, #tpu.memory_space<vmem>>
      %gather3A_526 = tpu.vector_load_idx %gather3A_525[%add3A_519, %broadcast_in_dim3A_520] : memref<64x128xf32, #tpu.memory_space<vmem>>[vector<16xi32>, vector<16xi32>], vector<16xf32>,
      %broadcast_in_dim3A_527 = vector.broadcast %add3A_483 : i32 to vector<16xi32>
      tpu.vector_store_idx %arg7[%add3A_519, %broadcast_in_dim3A_527], %gather3A_526 : memref<64x512xf32, #tpu.memory_space<vmem>>[vector<16xi32>, vector<16xi32>], vector<16xf32>,
      %slice3A_528 = vector.extract_strided_slice %shift_left3A_15 {offsets = [12], sizes = [1], strides = [1]} : vector<16xi32> to vector<1xi32>
      %squeeze3A_529 = vector.extract %slice3A_528[0] : i32 from vector<1xi32>
      %multiple_of3A_530 = tpu.assume_multiple %squeeze3A_529, 128 : i32
      %dma_start3A_531 = arith.constant 4 : i32
      %dma_start3A_532 = arith.constant 0 : i32
      %dma_start3A_533 = arith.constant 0 : i32
      %dma_start3A_534 = tpu.memref_slice %arg6[%dma_start3A_531, %dma_start3A_532, %dma_start3A_533] : memref<8x64x128xf32, #tpu.memory_space<vmem>> -> memref<1x64x128xf32, #tpu.memory_space<vmem>>
      %dma_start3A_535 = tpu.memref_squeeze %dma_start3A_534 : memref<1x64x128xf32, #tpu.memory_space<vmem>> -> memref<64x128xf32, #tpu.memory_space<vmem>>
      %dma_start3A_536 = arith.constant 0 : i32
      %dma_start3A_537 = tpu.memref_slice %arg3[%dma_start3A_536, %multiple_of3A_530] : memref<64x1000000xf32, #tpu.memory_space<hbm>> -> memref<64x128xf32, #tpu.memory_space<hbm>>
      %dma_start3A_538 = arith.constant 0 : i32
      %dma_start3A_539 = arith.constant 0 : i32
      %dma_start3A_540 = tpu.memref_slice %arg6[%dma_start3A_531, %dma_start3A_538, %dma_start3A_539] : memref<8x64x128xf32, #tpu.memory_space<vmem>> -> memref<1x64x128xf32, #tpu.memory_space<vmem>>
      %dma_start3A_541 = tpu.memref_squeeze %dma_start3A_540 : memref<1x64x128xf32, #tpu.memory_space<vmem>> -> memref<64x128xf32, #tpu.memory_space<vmem>>
      %dma_start3A_542 = arith.constant 0 : i32
      %dma_start3A_543 = tpu.memref_slice %arg3[%dma_start3A_542, %multiple_of3A_530] : memref<64x1000000xf32, #tpu.memory_space<hbm>> -> memref<64x128xf32, #tpu.memory_space<hbm>>
      tpu.enqueue_dma source(%dma_start3A_543 : memref<64x128xf32, #tpu.memory_space<hbm>>) target(%dma_start3A_541 : memref<64x128xf32, #tpu.memory_space<vmem>>) target_semaphore(%arg8 : memref<!tpu.dma_semaphore, #tpu.memory_space<semaphore_mem>>)
      %dma_wait3A_544 = arith.constant 5 : i32
      %dma_wait3A_545 = arith.constant 0 : i32
      %dma_wait3A_546 = arith.constant 0 : i32
      %dma_wait3A_547 = tpu.memref_slice %arg6[%dma_wait3A_544, %dma_wait3A_545, %dma_wait3A_546] : memref<8x64x128xf32, #tpu.memory_space<vmem>> -> memref<1x64x128xf32, #tpu.memory_space<vmem>>
      %dma_wait3A_548 = tpu.memref_squeeze %dma_wait3A_547 : memref<1x64x128xf32, #tpu.memory_space<vmem>> -> memref<64x128xf32, #tpu.memory_space<vmem>>
      %dma_wait3A_549 = arith.constant 0 : i32
      %dma_wait3A_550 = arith.constant 0 : i32
      %dma_wait3A_551 = tpu.memref_slice %arg3[%dma_wait3A_549, %dma_wait3A_550] : memref<64x1000000xf32, #tpu.memory_space<hbm>> -> memref<64x128xf32, #tpu.memory_space<hbm>>
      %dma_wait3A_552 = arith.constant 0 : i32
      %dma_wait3A_553 = arith.constant 0 : i32
      %dma_wait3A_554 = tpu.memref_slice %arg6[%dma_wait3A_544, %dma_wait3A_552, %dma_wait3A_553] : memref<8x64x128xf32, #tpu.memory_space<vmem>> -> memref<1x64x128xf32, #tpu.memory_space<vmem>>
      %dma_wait3A_555 = tpu.memref_squeeze %dma_wait3A_554 : memref<1x64x128xf32, #tpu.memory_space<vmem>> -> memref<64x128xf32, #tpu.memory_space<vmem>>
      %dma_wait3A_556 = arith.constant 0 : i32
      %dma_wait3A_557 = arith.constant 0 : i32
      %dma_wait3A_558 = tpu.memref_slice %arg3[%dma_wait3A_556, %dma_wait3A_557] : memref<64x1000000xf32, #tpu.memory_space<hbm>> -> memref<64x128xf32, #tpu.memory_space<hbm>>
      tpu.wait_dma2 semaphore(%arg8 : memref<!tpu.dma_semaphore, #tpu.memory_space<semaphore_mem>>) src(%dma_wait3A_558 : memref<64x128xf32, #tpu.memory_space<hbm>>) dst(%dma_wait3A_555 : memref<64x128xf32, #tpu.memory_space<vmem>>)
      %slice3A_559 = vector.extract_strided_slice %and3A_17 {offsets = [5], sizes = [1], strides = [1]} : vector<16xi32> to vector<1xi32>
      %squeeze3A_560 = vector.extract %slice3A_559[0] : i32 from vector<1xi32>
      %mul3A_561 = arith.constant 16 : i32
      %mul3A_562 = arith.muli %scan3A_8, %mul3A_561 : i32
      %add3A_563 = arith.constant 5 : i32
      %add3A_564 = arith.addi %mul3A_562, %add3A_563 : i32
      %add3A_565 = arith.constant 0 : i32
      %add3A_566 = vector.broadcast %add3A_565 : i32 to vector<16xi32>
      %add3A_567 = arith.addi %iota3A, %add3A_566 : vector<16xi32>
      %broadcast_in_dim3A_568 = vector.broadcast %squeeze3A_560 : i32 to vector<16xi32>
      %gather3A_569 = arith.constant 5 : i32
      %gather3A_570 = arith.constant 0 : i32
      %gather3A_571 = arith.constant 0 : i32
      %gather3A_572 = tpu.memref_slice %arg6[%gather3A_569, %gather3A_570, %gather3A_571] : memref<8x64x128xf32, #tpu.memory_space<vmem>> -> memref<1x64x128xf32, #tpu.memory_space<vmem>>
      %gather3A_573 = tpu.memref_squeeze %gather3A_572 : memref<1x64x128xf32, #tpu.memory_space<vmem>> -> memref<64x128xf32, #tpu.memory_space<vmem>>
      %gather3A_574 = tpu.vector_load_idx %gather3A_573[%add3A_567, %broadcast_in_dim3A_568] : memref<64x128xf32, #tpu.memory_space<vmem>>[vector<16xi32>, vector<16xi32>], vector<16xf32>,
      %broadcast_in_dim3A_575 = vector.broadcast %add3A_564 : i32 to vector<16xi32>
      tpu.vector_store_idx %arg7[%add3A_567, %broadcast_in_dim3A_575], %gather3A_574 : memref<64x512xf32, #tpu.memory_space<vmem>>[vector<16xi32>, vector<16xi32>], vector<16xf32>,
      %add3A_576 = arith.constant 16 : i32
      %add3A_577 = vector.broadcast %add3A_576 : i32 to vector<16xi32>
      %add3A_578 = arith.addi %iota3A, %add3A_577 : vector<16xi32>
      %broadcast_in_dim3A_579 = vector.broadcast %squeeze3A_560 : i32 to vector<16xi32>
      %gather3A_580 = arith.constant 5 : i32
      %gather3A_581 = arith.constant 0 : i32
      %gather3A_582 = arith.constant 0 : i32
      %gather3A_583 = tpu.memref_slice %arg6[%gather3A_580, %gather3A_581, %gather3A_582] : memref<8x64x128xf32, #tpu.memory_space<vmem>> -> memref<1x64x128xf32, #tpu.memory_space<vmem>>
      %gather3A_584 = tpu.memref_squeeze %gather3A_583 : memref<1x64x128xf32, #tpu.memory_space<vmem>> -> memref<64x128xf32, #tpu.memory_space<vmem>>
      %gather3A_585 = tpu.vector_load_idx %gather3A_584[%add3A_578, %broadcast_in_dim3A_579] : memref<64x128xf32, #tpu.memory_space<vmem>>[vector<16xi32>, vector<16xi32>], vector<16xf32>,
      %broadcast_in_dim3A_586 = vector.broadcast %add3A_564 : i32 to vector<16xi32>
      tpu.vector_store_idx %arg7[%add3A_578, %broadcast_in_dim3A_586], %gather3A_585 : memref<64x512xf32, #tpu.memory_space<vmem>>[vector<16xi32>, vector<16xi32>], vector<16xf32>,
      %add3A_587 = arith.constant 32 : i32
      %add3A_588 = vector.broadcast %add3A_587 : i32 to vector<16xi32>
      %add3A_589 = arith.addi %iota3A, %add3A_588 : vector<16xi32>
      %broadcast_in_dim3A_590 = vector.broadcast %squeeze3A_560 : i32 to vector<16xi32>
      %gather3A_591 = arith.constant 5 : i32
      %gather3A_592 = arith.constant 0 : i32
      %gather3A_593 = arith.constant 0 : i32
      %gather3A_594 = tpu.memref_slice %arg6[%gather3A_591, %gather3A_592, %gather3A_593] : memref<8x64x128xf32, #tpu.memory_space<vmem>> -> memref<1x64x128xf32, #tpu.memory_space<vmem>>
      %gather3A_595 = tpu.memref_squeeze %gather3A_594 : memref<1x64x128xf32, #tpu.memory_space<vmem>> -> memref<64x128xf32, #tpu.memory_space<vmem>>
      %gather3A_596 = tpu.vector_load_idx %gather3A_595[%add3A_589, %broadcast_in_dim3A_590] : memref<64x128xf32, #tpu.memory_space<vmem>>[vector<16xi32>, vector<16xi32>], vector<16xf32>,
      %broadcast_in_dim3A_597 = vector.broadcast %add3A_564 : i32 to vector<16xi32>
      tpu.vector_store_idx %arg7[%add3A_589, %broadcast_in_dim3A_597], %gather3A_596 : memref<64x512xf32, #tpu.memory_space<vmem>>[vector<16xi32>, vector<16xi32>], vector<16xf32>,
      %add3A_598 = arith.constant 48 : i32
      %add3A_599 = vector.broadcast %add3A_598 : i32 to vector<16xi32>
      %add3A_600 = arith.addi %iota3A, %add3A_599 : vector<16xi32>
      %broadcast_in_dim3A_601 = vector.broadcast %squeeze3A_560 : i32 to vector<16xi32>
      %gather3A_602 = arith.constant 5 : i32
      %gather3A_603 = arith.constant 0 : i32
      %gather3A_604 = arith.constant 0 : i32
      %gather3A_605 = tpu.memref_slice %arg6[%gather3A_602, %gather3A_603, %gather3A_604] : memref<8x64x128xf32, #tpu.memory_space<vmem>> -> memref<1x64x128xf32, #tpu.memory_space<vmem>>
      %gather3A_606 = tpu.memref_squeeze %gather3A_605 : memref<1x64x128xf32, #tpu.memory_space<vmem>> -> memref<64x128xf32, #tpu.memory_space<vmem>>
      %gather3A_607 = tpu.vector_load_idx %gather3A_606[%add3A_600, %broadcast_in_dim3A_601] : memref<64x128xf32, #tpu.memory_space<vmem>>[vector<16xi32>, vector<16xi32>], vector<16xf32>,
      %broadcast_in_dim3A_608 = vector.broadcast %add3A_564 : i32 to vector<16xi32>
      tpu.vector_store_idx %arg7[%add3A_600, %broadcast_in_dim3A_608], %gather3A_607 : memref<64x512xf32, #tpu.memory_space<vmem>>[vector<16xi32>, vector<16xi32>], vector<16xf32>,
      %slice3A_609 = vector.extract_strided_slice %shift_left3A_15 {offsets = [13], sizes = [1], strides = [1]} : vector<16xi32> to vector<1xi32>
      %squeeze3A_610 = vector.extract %slice3A_609[0] : i32 from vector<1xi32>
      %multiple_of3A_611 = tpu.assume_multiple %squeeze3A_610, 128 : i32
      %dma_start3A_612 = arith.constant 5 : i32
      %dma_start3A_613 = arith.constant 0 : i32
      %dma_start3A_614 = arith.constant 0 : i32
      %dma_start3A_615 = tpu.memref_slice %arg6[%dma_start3A_612, %dma_start3A_613, %dma_start3A_614] : memref<8x64x128xf32, #tpu.memory_space<vmem>> -> memref<1x64x128xf32, #tpu.memory_space<vmem>>
      %dma_start3A_616 = tpu.memref_squeeze %dma_start3A_615 : memref<1x64x128xf32, #tpu.memory_space<vmem>> -> memref<64x128xf32, #tpu.memory_space<vmem>>
      %dma_start3A_617 = arith.constant 0 : i32
      %dma_start3A_618 = tpu.memref_slice %arg3[%dma_start3A_617, %multiple_of3A_611] : memref<64x1000000xf32, #tpu.memory_space<hbm>> -> memref<64x128xf32, #tpu.memory_space<hbm>>
      %dma_start3A_619 = arith.constant 0 : i32
      %dma_start3A_620 = arith.constant 0 : i32
      %dma_start3A_621 = tpu.memref_slice %arg6[%dma_start3A_612, %dma_start3A_619, %dma_start3A_620] : memref<8x64x128xf32, #tpu.memory_space<vmem>> -> memref<1x64x128xf32, #tpu.memory_space<vmem>>
      %dma_start3A_622 = tpu.memref_squeeze %dma_start3A_621 : memref<1x64x128xf32, #tpu.memory_space<vmem>> -> memref<64x128xf32, #tpu.memory_space<vmem>>
      %dma_start3A_623 = arith.constant 0 : i32
      %dma_start3A_624 = tpu.memref_slice %arg3[%dma_start3A_623, %multiple_of3A_611] : memref<64x1000000xf32, #tpu.memory_space<hbm>> -> memref<64x128xf32, #tpu.memory_space<hbm>>
      tpu.enqueue_dma source(%dma_start3A_624 : memref<64x128xf32, #tpu.memory_space<hbm>>) target(%dma_start3A_622 : memref<64x128xf32, #tpu.memory_space<vmem>>) target_semaphore(%arg8 : memref<!tpu.dma_semaphore, #tpu.memory_space<semaphore_mem>>)
      %dma_wait3A_625 = arith.constant 6 : i32
      %dma_wait3A_626 = arith.constant 0 : i32
      %dma_wait3A_627 = arith.constant 0 : i32
      %dma_wait3A_628 = tpu.memref_slice %arg6[%dma_wait3A_625, %dma_wait3A_626, %dma_wait3A_627] : memref<8x64x128xf32, #tpu.memory_space<vmem>> -> memref<1x64x128xf32, #tpu.memory_space<vmem>>
      %dma_wait3A_629 = tpu.memref_squeeze %dma_wait3A_628 : memref<1x64x128xf32, #tpu.memory_space<vmem>> -> memref<64x128xf32, #tpu.memory_space<vmem>>
      %dma_wait3A_630 = arith.constant 0 : i32
      %dma_wait3A_631 = arith.constant 0 : i32
      %dma_wait3A_632 = tpu.memref_slice %arg3[%dma_wait3A_630, %dma_wait3A_631] : memref<64x1000000xf32, #tpu.memory_space<hbm>> -> memref<64x128xf32, #tpu.memory_space<hbm>>
      %dma_wait3A_633 = arith.constant 0 : i32
      %dma_wait3A_634 = arith.constant 0 : i32
      %dma_wait3A_635 = tpu.memref_slice %arg6[%dma_wait3A_625, %dma_wait3A_633, %dma_wait3A_634] : memref<8x64x128xf32, #tpu.memory_space<vmem>> -> memref<1x64x128xf32, #tpu.memory_space<vmem>>
      %dma_wait3A_636 = tpu.memref_squeeze %dma_wait3A_635 : memref<1x64x128xf32, #tpu.memory_space<vmem>> -> memref<64x128xf32, #tpu.memory_space<vmem>>
      %dma_wait3A_637 = arith.constant 0 : i32
      %dma_wait3A_638 = arith.constant 0 : i32
      %dma_wait3A_639 = tpu.memref_slice %arg3[%dma_wait3A_637, %dma_wait3A_638] : memref<64x1000000xf32, #tpu.memory_space<hbm>> -> memref<64x128xf32, #tpu.memory_space<hbm>>
      tpu.wait_dma2 semaphore(%arg8 : memref<!tpu.dma_semaphore, #tpu.memory_space<semaphore_mem>>) src(%dma_wait3A_639 : memref<64x128xf32, #tpu.memory_space<hbm>>) dst(%dma_wait3A_636 : memref<64x128xf32, #tpu.memory_space<vmem>>)
      %slice3A_640 = vector.extract_strided_slice %and3A_17 {offsets = [6], sizes = [1], strides = [1]} : vector<16xi32> to vector<1xi32>
      %squeeze3A_641 = vector.extract %slice3A_640[0] : i32 from vector<1xi32>
      %mul3A_642 = arith.constant 16 : i32
      %mul3A_643 = arith.muli %scan3A_8, %mul3A_642 : i32
      %add3A_644 = arith.constant 6 : i32
      %add3A_645 = arith.addi %mul3A_643, %add3A_644 : i32
      %add3A_646 = arith.constant 0 : i32
      %add3A_647 = vector.broadcast %add3A_646 : i32 to vector<16xi32>
      %add3A_648 = arith.addi %iota3A, %add3A_647 : vector<16xi32>
      %broadcast_in_dim3A_649 = vector.broadcast %squeeze3A_641 : i32 to vector<16xi32>
      %gather3A_650 = arith.constant 6 : i32
      %gather3A_651 = arith.constant 0 : i32
      %gather3A_652 = arith.constant 0 : i32
      %gather3A_653 = tpu.memref_slice %arg6[%gather3A_650, %gather3A_651, %gather3A_652] : memref<8x64x128xf32, #tpu.memory_space<vmem>> -> memref<1x64x128xf32, #tpu.memory_space<vmem>>
      %gather3A_654 = tpu.memref_squeeze %gather3A_653 : memref<1x64x128xf32, #tpu.memory_space<vmem>> -> memref<64x128xf32, #tpu.memory_space<vmem>>
      %gather3A_655 = tpu.vector_load_idx %gather3A_654[%add3A_648, %broadcast_in_dim3A_649] : memref<64x128xf32, #tpu.memory_space<vmem>>[vector<16xi32>, vector<16xi32>], vector<16xf32>,
      %broadcast_in_dim3A_656 = vector.broadcast %add3A_645 : i32 to vector<16xi32>
      tpu.vector_store_idx %arg7[%add3A_648, %broadcast_in_dim3A_656], %gather3A_655 : memref<64x512xf32, #tpu.memory_space<vmem>>[vector<16xi32>, vector<16xi32>], vector<16xf32>,
      %add3A_657 = arith.constant 16 : i32
      %add3A_658 = vector.broadcast %add3A_657 : i32 to vector<16xi32>
      %add3A_659 = arith.addi %iota3A, %add3A_658 : vector<16xi32>
      %broadcast_in_dim3A_660 = vector.broadcast %squeeze3A_641 : i32 to vector<16xi32>
      %gather3A_661 = arith.constant 6 : i32
      %gather3A_662 = arith.constant 0 : i32
      %gather3A_663 = arith.constant 0 : i32
      %gather3A_664 = tpu.memref_slice %arg6[%gather3A_661, %gather3A_662, %gather3A_663] : memref<8x64x128xf32, #tpu.memory_space<vmem>> -> memref<1x64x128xf32, #tpu.memory_space<vmem>>
      %gather3A_665 = tpu.memref_squeeze %gather3A_664 : memref<1x64x128xf32, #tpu.memory_space<vmem>> -> memref<64x128xf32, #tpu.memory_space<vmem>>
      %gather3A_666 = tpu.vector_load_idx %gather3A_665[%add3A_659, %broadcast_in_dim3A_660] : memref<64x128xf32, #tpu.memory_space<vmem>>[vector<16xi32>, vector<16xi32>], vector<16xf32>,
      %broadcast_in_dim3A_667 = vector.broadcast %add3A_645 : i32 to vector<16xi32>
      tpu.vector_store_idx %arg7[%add3A_659, %broadcast_in_dim3A_667], %gather3A_666 : memref<64x512xf32, #tpu.memory_space<vmem>>[vector<16xi32>, vector<16xi32>], vector<16xf32>,
      %add3A_668 = arith.constant 32 : i32
      %add3A_669 = vector.broadcast %add3A_668 : i32 to vector<16xi32>
      %add3A_670 = arith.addi %iota3A, %add3A_669 : vector<16xi32>
      %broadcast_in_dim3A_671 = vector.broadcast %squeeze3A_641 : i32 to vector<16xi32>
      %gather3A_672 = arith.constant 6 : i32
      %gather3A_673 = arith.constant 0 : i32
      %gather3A_674 = arith.constant 0 : i32
      %gather3A_675 = tpu.memref_slice %arg6[%gather3A_672, %gather3A_673, %gather3A_674] : memref<8x64x128xf32, #tpu.memory_space<vmem>> -> memref<1x64x128xf32, #tpu.memory_space<vmem>>
      %gather3A_676 = tpu.memref_squeeze %gather3A_675 : memref<1x64x128xf32, #tpu.memory_space<vmem>> -> memref<64x128xf32, #tpu.memory_space<vmem>>
      %gather3A_677 = tpu.vector_load_idx %gather3A_676[%add3A_670, %broadcast_in_dim3A_671] : memref<64x128xf32, #tpu.memory_space<vmem>>[vector<16xi32>, vector<16xi32>], vector<16xf32>,
      %broadcast_in_dim3A_678 = vector.broadcast %add3A_645 : i32 to vector<16xi32>
      tpu.vector_store_idx %arg7[%add3A_670, %broadcast_in_dim3A_678], %gather3A_677 : memref<64x512xf32, #tpu.memory_space<vmem>>[vector<16xi32>, vector<16xi32>], vector<16xf32>,
      %add3A_679 = arith.constant 48 : i32
      %add3A_680 = vector.broadcast %add3A_679 : i32 to vector<16xi32>
      %add3A_681 = arith.addi %iota3A, %add3A_680 : vector<16xi32>
      %broadcast_in_dim3A_682 = vector.broadcast %squeeze3A_641 : i32 to vector<16xi32>
      %gather3A_683 = arith.constant 6 : i32
      %gather3A_684 = arith.constant 0 : i32
      %gather3A_685 = arith.constant 0 : i32
      %gather3A_686 = tpu.memref_slice %arg6[%gather3A_683, %gather3A_684, %gather3A_685] : memref<8x64x128xf32, #tpu.memory_space<vmem>> -> memref<1x64x128xf32, #tpu.memory_space<vmem>>
      %gather3A_687 = tpu.memref_squeeze %gather3A_686 : memref<1x64x128xf32, #tpu.memory_space<vmem>> -> memref<64x128xf32, #tpu.memory_space<vmem>>
      %gather3A_688 = tpu.vector_load_idx %gather3A_687[%add3A_681, %broadcast_in_dim3A_682] : memref<64x128xf32, #tpu.memory_space<vmem>>[vector<16xi32>, vector<16xi32>], vector<16xf32>,
      %broadcast_in_dim3A_689 = vector.broadcast %add3A_645 : i32 to vector<16xi32>
      tpu.vector_store_idx %arg7[%add3A_681, %broadcast_in_dim3A_689], %gather3A_688 : memref<64x512xf32, #tpu.memory_space<vmem>>[vector<16xi32>, vector<16xi32>], vector<16xf32>,
      %slice3A_690 = vector.extract_strided_slice %shift_left3A_15 {offsets = [14], sizes = [1], strides = [1]} : vector<16xi32> to vector<1xi32>
      %squeeze3A_691 = vector.extract %slice3A_690[0] : i32 from vector<1xi32>
      %multiple_of3A_692 = tpu.assume_multiple %squeeze3A_691, 128 : i32
      %dma_start3A_693 = arith.constant 6 : i32
      %dma_start3A_694 = arith.constant 0 : i32
      %dma_start3A_695 = arith.constant 0 : i32
      %dma_start3A_696 = tpu.memref_slice %arg6[%dma_start3A_693, %dma_start3A_694, %dma_start3A_695] : memref<8x64x128xf32, #tpu.memory_space<vmem>> -> memref<1x64x128xf32, #tpu.memory_space<vmem>>
      %dma_start3A_697 = tpu.memref_squeeze %dma_start3A_696 : memref<1x64x128xf32, #tpu.memory_space<vmem>> -> memref<64x128xf32, #tpu.memory_space<vmem>>
      %dma_start3A_698 = arith.constant 0 : i32
      %dma_start3A_699 = tpu.memref_slice %arg3[%dma_start3A_698, %multiple_of3A_692] : memref<64x1000000xf32, #tpu.memory_space<hbm>> -> memref<64x128xf32, #tpu.memory_space<hbm>>
      %dma_start3A_700 = arith.constant 0 : i32
      %dma_start3A_701 = arith.constant 0 : i32
      %dma_start3A_702 = tpu.memref_slice %arg6[%dma_start3A_693, %dma_start3A_700, %dma_start3A_701] : memref<8x64x128xf32, #tpu.memory_space<vmem>> -> memref<1x64x128xf32, #tpu.memory_space<vmem>>
      %dma_start3A_703 = tpu.memref_squeeze %dma_start3A_702 : memref<1x64x128xf32, #tpu.memory_space<vmem>> -> memref<64x128xf32, #tpu.memory_space<vmem>>
      %dma_start3A_704 = arith.constant 0 : i32
      %dma_start3A_705 = tpu.memref_slice %arg3[%dma_start3A_704, %multiple_of3A_692] : memref<64x1000000xf32, #tpu.memory_space<hbm>> -> memref<64x128xf32, #tpu.memory_space<hbm>>
      tpu.enqueue_dma source(%dma_start3A_705 : memref<64x128xf32, #tpu.memory_space<hbm>>) target(%dma_start3A_703 : memref<64x128xf32, #tpu.memory_space<vmem>>) target_semaphore(%arg8 : memref<!tpu.dma_semaphore, #tpu.memory_space<semaphore_mem>>)
      %dma_wait3A_706 = arith.constant 7 : i32
      %dma_wait3A_707 = arith.constant 0 : i32
      %dma_wait3A_708 = arith.constant 0 : i32
      %dma_wait3A_709 = tpu.memref_slice %arg6[%dma_wait3A_706, %dma_wait3A_707, %dma_wait3A_708] : memref<8x64x128xf32, #tpu.memory_space<vmem>> -> memref<1x64x128xf32, #tpu.memory_space<vmem>>
      %dma_wait3A_710 = tpu.memref_squeeze %dma_wait3A_709 : memref<1x64x128xf32, #tpu.memory_space<vmem>> -> memref<64x128xf32, #tpu.memory_space<vmem>>
      %dma_wait3A_711 = arith.constant 0 : i32
      %dma_wait3A_712 = arith.constant 0 : i32
      %dma_wait3A_713 = tpu.memref_slice %arg3[%dma_wait3A_711, %dma_wait3A_712] : memref<64x1000000xf32, #tpu.memory_space<hbm>> -> memref<64x128xf32, #tpu.memory_space<hbm>>
      %dma_wait3A_714 = arith.constant 0 : i32
      %dma_wait3A_715 = arith.constant 0 : i32
      %dma_wait3A_716 = tpu.memref_slice %arg6[%dma_wait3A_706, %dma_wait3A_714, %dma_wait3A_715] : memref<8x64x128xf32, #tpu.memory_space<vmem>> -> memref<1x64x128xf32, #tpu.memory_space<vmem>>
      %dma_wait3A_717 = tpu.memref_squeeze %dma_wait3A_716 : memref<1x64x128xf32, #tpu.memory_space<vmem>> -> memref<64x128xf32, #tpu.memory_space<vmem>>
      %dma_wait3A_718 = arith.constant 0 : i32
      %dma_wait3A_719 = arith.constant 0 : i32
      %dma_wait3A_720 = tpu.memref_slice %arg3[%dma_wait3A_718, %dma_wait3A_719] : memref<64x1000000xf32, #tpu.memory_space<hbm>> -> memref<64x128xf32, #tpu.memory_space<hbm>>
      tpu.wait_dma2 semaphore(%arg8 : memref<!tpu.dma_semaphore, #tpu.memory_space<semaphore_mem>>) src(%dma_wait3A_720 : memref<64x128xf32, #tpu.memory_space<hbm>>) dst(%dma_wait3A_717 : memref<64x128xf32, #tpu.memory_space<vmem>>)
      %slice3A_721 = vector.extract_strided_slice %and3A_17 {offsets = [7], sizes = [1], strides = [1]} : vector<16xi32> to vector<1xi32>
      %squeeze3A_722 = vector.extract %slice3A_721[0] : i32 from vector<1xi32>
      %mul3A_723 = arith.constant 16 : i32
      %mul3A_724 = arith.muli %scan3A_8, %mul3A_723 : i32
      %add3A_725 = arith.constant 7 : i32
      %add3A_726 = arith.addi %mul3A_724, %add3A_725 : i32
      %add3A_727 = arith.constant 0 : i32
      %add3A_728 = vector.broadcast %add3A_727 : i32 to vector<16xi32>
      %add3A_729 = arith.addi %iota3A, %add3A_728 : vector<16xi32>
      %broadcast_in_dim3A_730 = vector.broadcast %squeeze3A_722 : i32 to vector<16xi32>
      %gather3A_731 = arith.constant 7 : i32
      %gather3A_732 = arith.constant 0 : i32
      %gather3A_733 = arith.constant 0 : i32
      %gather3A_734 = tpu.memref_slice %arg6[%gather3A_731, %gather3A_732, %gather3A_733] : memref<8x64x128xf32, #tpu.memory_space<vmem>> -> memref<1x64x128xf32, #tpu.memory_space<vmem>>
      %gather3A_735 = tpu.memref_squeeze %gather3A_734 : memref<1x64x128xf32, #tpu.memory_space<vmem>> -> memref<64x128xf32, #tpu.memory_space<vmem>>
      %gather3A_736 = tpu.vector_load_idx %gather3A_735[%add3A_729, %broadcast_in_dim3A_730] : memref<64x128xf32, #tpu.memory_space<vmem>>[vector<16xi32>, vector<16xi32>], vector<16xf32>,
      %broadcast_in_dim3A_737 = vector.broadcast %add3A_726 : i32 to vector<16xi32>
      tpu.vector_store_idx %arg7[%add3A_729, %broadcast_in_dim3A_737], %gather3A_736 : memref<64x512xf32, #tpu.memory_space<vmem>>[vector<16xi32>, vector<16xi32>], vector<16xf32>,
      %add3A_738 = arith.constant 16 : i32
      %add3A_739 = vector.broadcast %add3A_738 : i32 to vector<16xi32>
      %add3A_740 = arith.addi %iota3A, %add3A_739 : vector<16xi32>
      %broadcast_in_dim3A_741 = vector.broadcast %squeeze3A_722 : i32 to vector<16xi32>
      %gather3A_742 = arith.constant 7 : i32
      %gather3A_743 = arith.constant 0 : i32
      %gather3A_744 = arith.constant 0 : i32
      %gather3A_745 = tpu.memref_slice %arg6[%gather3A_742, %gather3A_743, %gather3A_744] : memref<8x64x128xf32, #tpu.memory_space<vmem>> -> memref<1x64x128xf32, #tpu.memory_space<vmem>>
      %gather3A_746 = tpu.memref_squeeze %gather3A_745 : memref<1x64x128xf32, #tpu.memory_space<vmem>> -> memref<64x128xf32, #tpu.memory_space<vmem>>
      %gather3A_747 = tpu.vector_load_idx %gather3A_746[%add3A_740, %broadcast_in_dim3A_741] : memref<64x128xf32, #tpu.memory_space<vmem>>[vector<16xi32>, vector<16xi32>], vector<16xf32>,
      %broadcast_in_dim3A_748 = vector.broadcast %add3A_726 : i32 to vector<16xi32>
      tpu.vector_store_idx %arg7[%add3A_740, %broadcast_in_dim3A_748], %gather3A_747 : memref<64x512xf32, #tpu.memory_space<vmem>>[vector<16xi32>, vector<16xi32>], vector<16xf32>,
      %add3A_749 = arith.constant 32 : i32
      %add3A_750 = vector.broadcast %add3A_749 : i32 to vector<16xi32>
      %add3A_751 = arith.addi %iota3A, %add3A_750 : vector<16xi32>
      %broadcast_in_dim3A_752 = vector.broadcast %squeeze3A_722 : i32 to vector<16xi32>
      %gather3A_753 = arith.constant 7 : i32
      %gather3A_754 = arith.constant 0 : i32
      %gather3A_755 = arith.constant 0 : i32
      %gather3A_756 = tpu.memref_slice %arg6[%gather3A_753, %gather3A_754, %gather3A_755] : memref<8x64x128xf32, #tpu.memory_space<vmem>> -> memref<1x64x128xf32, #tpu.memory_space<vmem>>
      %gather3A_757 = tpu.memref_squeeze %gather3A_756 : memref<1x64x128xf32, #tpu.memory_space<vmem>> -> memref<64x128xf32, #tpu.memory_space<vmem>>
      %gather3A_758 = tpu.vector_load_idx %gather3A_757[%add3A_751, %broadcast_in_dim3A_752] : memref<64x128xf32, #tpu.memory_space<vmem>>[vector<16xi32>, vector<16xi32>], vector<16xf32>,
      %broadcast_in_dim3A_759 = vector.broadcast %add3A_726 : i32 to vector<16xi32>
      tpu.vector_store_idx %arg7[%add3A_751, %broadcast_in_dim3A_759], %gather3A_758 : memref<64x512xf32, #tpu.memory_space<vmem>>[vector<16xi32>, vector<16xi32>], vector<16xf32>,
      %add3A_760 = arith.constant 48 : i32
      %add3A_761 = vector.broadcast %add3A_760 : i32 to vector<16xi32>
      %add3A_762 = arith.addi %iota3A, %add3A_761 : vector<16xi32>
      %broadcast_in_dim3A_763 = vector.broadcast %squeeze3A_722 : i32 to vector<16xi32>
      %gather3A_764 = arith.constant 7 : i32
      %gather3A_765 = arith.constant 0 : i32
      %gather3A_766 = arith.constant 0 : i32
      %gather3A_767 = tpu.memref_slice %arg6[%gather3A_764, %gather3A_765, %gather3A_766] : memref<8x64x128xf32, #tpu.memory_space<vmem>> -> memref<1x64x128xf32, #tpu.memory_space<vmem>>
      %gather3A_768 = tpu.memref_squeeze %gather3A_767 : memref<1x64x128xf32, #tpu.memory_space<vmem>> -> memref<64x128xf32, #tpu.memory_space<vmem>>
      %gather3A_769 = tpu.vector_load_idx %gather3A_768[%add3A_762, %broadcast_in_dim3A_763] : memref<64x128xf32, #tpu.memory_space<vmem>>[vector<16xi32>, vector<16xi32>], vector<16xf32>,
      %broadcast_in_dim3A_770 = vector.broadcast %add3A_726 : i32 to vector<16xi32>
      tpu.vector_store_idx %arg7[%add3A_762, %broadcast_in_dim3A_770], %gather3A_769 : memref<64x512xf32, #tpu.memory_space<vmem>>[vector<16xi32>, vector<16xi32>], vector<16xf32>,
      %slice3A_771 = vector.extract_strided_slice %shift_left3A_15 {offsets = [15], sizes = [1], strides = [1]} : vector<16xi32> to vector<1xi32>
      %squeeze3A_772 = vector.extract %slice3A_771[0] : i32 from vector<1xi32>
      %multiple_of3A_773 = tpu.assume_multiple %squeeze3A_772, 128 : i32
      %dma_start3A_774 = arith.constant 7 : i32
      %dma_start3A_775 = arith.constant 0 : i32
      %dma_start3A_776 = arith.constant 0 : i32
      %dma_start3A_777 = tpu.memref_slice %arg6[%dma_start3A_774, %dma_start3A_775, %dma_start3A_776] : memref<8x64x128xf32, #tpu.memory_space<vmem>> -> memref<1x64x128xf32, #tpu.memory_space<vmem>>
      %dma_start3A_778 = tpu.memref_squeeze %dma_start3A_777 : memref<1x64x128xf32, #tpu.memory_space<vmem>> -> memref<64x128xf32, #tpu.memory_space<vmem>>
      %dma_start3A_779 = arith.constant 0 : i32
      %dma_start3A_780 = tpu.memref_slice %arg3[%dma_start3A_779, %multiple_of3A_773] : memref<64x1000000xf32, #tpu.memory_space<hbm>> -> memref<64x128xf32, #tpu.memory_space<hbm>>
      %dma_start3A_781 = arith.constant 0 : i32
      %dma_start3A_782 = arith.constant 0 : i32
      %dma_start3A_783 = tpu.memref_slice %arg6[%dma_start3A_774, %dma_start3A_781, %dma_start3A_782] : memref<8x64x128xf32, #tpu.memory_space<vmem>> -> memref<1x64x128xf32, #tpu.memory_space<vmem>>
      %dma_start3A_784 = tpu.memref_squeeze %dma_start3A_783 : memref<1x64x128xf32, #tpu.memory_space<vmem>> -> memref<64x128xf32, #tpu.memory_space<vmem>>
      %dma_start3A_785 = arith.constant 0 : i32
      %dma_start3A_786 = tpu.memref_slice %arg3[%dma_start3A_785, %multiple_of3A_773] : memref<64x1000000xf32, #tpu.memory_space<hbm>> -> memref<64x128xf32, #tpu.memory_space<hbm>>
      tpu.enqueue_dma source(%dma_start3A_786 : memref<64x128xf32, #tpu.memory_space<hbm>>) target(%dma_start3A_784 : memref<64x128xf32, #tpu.memory_space<vmem>>) target_semaphore(%arg8 : memref<!tpu.dma_semaphore, #tpu.memory_space<semaphore_mem>>)
      %dma_wait3A_787 = arith.constant 0 : i32
      %dma_wait3A_788 = arith.constant 0 : i32
      %dma_wait3A_789 = arith.constant 0 : i32
      %dma_wait3A_790 = tpu.memref_slice %arg6[%dma_wait3A_787, %dma_wait3A_788, %dma_wait3A_789] : memref<8x64x128xf32, #tpu.memory_space<vmem>> -> memref<1x64x128xf32, #tpu.memory_space<vmem>>
      %dma_wait3A_791 = tpu.memref_squeeze %dma_wait3A_790 : memref<1x64x128xf32, #tpu.memory_space<vmem>> -> memref<64x128xf32, #tpu.memory_space<vmem>>
      %dma_wait3A_792 = arith.constant 0 : i32
      %dma_wait3A_793 = arith.constant 0 : i32
      %dma_wait3A_794 = tpu.memref_slice %arg3[%dma_wait3A_792, %dma_wait3A_793] : memref<64x1000000xf32, #tpu.memory_space<hbm>> -> memref<64x128xf32, #tpu.memory_space<hbm>>
      %dma_wait3A_795 = arith.constant 0 : i32
      %dma_wait3A_796 = arith.constant 0 : i32
      %dma_wait3A_797 = tpu.memref_slice %arg6[%dma_wait3A_787, %dma_wait3A_795, %dma_wait3A_796] : memref<8x64x128xf32, #tpu.memory_space<vmem>> -> memref<1x64x128xf32, #tpu.memory_space<vmem>>
      %dma_wait3A_798 = tpu.memref_squeeze %dma_wait3A_797 : memref<1x64x128xf32, #tpu.memory_space<vmem>> -> memref<64x128xf32, #tpu.memory_space<vmem>>
      %dma_wait3A_799 = arith.constant 0 : i32
      %dma_wait3A_800 = arith.constant 0 : i32
      %dma_wait3A_801 = tpu.memref_slice %arg3[%dma_wait3A_799, %dma_wait3A_800] : memref<64x1000000xf32, #tpu.memory_space<hbm>> -> memref<64x128xf32, #tpu.memory_space<hbm>>
      tpu.wait_dma2 semaphore(%arg8 : memref<!tpu.dma_semaphore, #tpu.memory_space<semaphore_mem>>) src(%dma_wait3A_801 : memref<64x128xf32, #tpu.memory_space<hbm>>) dst(%dma_wait3A_798 : memref<64x128xf32, #tpu.memory_space<vmem>>)
      %slice3A_802 = vector.extract_strided_slice %and3A_17 {offsets = [8], sizes = [1], strides = [1]} : vector<16xi32> to vector<1xi32>
      %squeeze3A_803 = vector.extract %slice3A_802[0] : i32 from vector<1xi32>
      %mul3A_804 = arith.constant 16 : i32
      %mul3A_805 = arith.muli %scan3A_8, %mul3A_804 : i32
      %add3A_806 = arith.constant 8 : i32
      %add3A_807 = arith.addi %mul3A_805, %add3A_806 : i32
      %add3A_808 = arith.constant 0 : i32
      %add3A_809 = vector.broadcast %add3A_808 : i32 to vector<16xi32>
      %add3A_810 = arith.addi %iota3A, %add3A_809 : vector<16xi32>
      %broadcast_in_dim3A_811 = vector.broadcast %squeeze3A_803 : i32 to vector<16xi32>
      %gather3A_812 = arith.constant 0 : i32
      %gather3A_813 = arith.constant 0 : i32
      %gather3A_814 = arith.constant 0 : i32
      %gather3A_815 = tpu.memref_slice %arg6[%gather3A_812, %gather3A_813, %gather3A_814] : memref<8x64x128xf32, #tpu.memory_space<vmem>> -> memref<1x64x128xf32, #tpu.memory_space<vmem>>
      %gather3A_816 = tpu.memref_squeeze %gather3A_815 : memref<1x64x128xf32, #tpu.memory_space<vmem>> -> memref<64x128xf32, #tpu.memory_space<vmem>>
      %gather3A_817 = tpu.vector_load_idx %gather3A_816[%add3A_810, %broadcast_in_dim3A_811] : memref<64x128xf32, #tpu.memory_space<vmem>>[vector<16xi32>, vector<16xi32>], vector<16xf32>,
      %broadcast_in_dim3A_818 = vector.broadcast %add3A_807 : i32 to vector<16xi32>
      tpu.vector_store_idx %arg7[%add3A_810, %broadcast_in_dim3A_818], %gather3A_817 : memref<64x512xf32, #tpu.memory_space<vmem>>[vector<16xi32>, vector<16xi32>], vector<16xf32>,
      %add3A_819 = arith.constant 16 : i32
      %add3A_820 = vector.broadcast %add3A_819 : i32 to vector<16xi32>
      %add3A_821 = arith.addi %iota3A, %add3A_820 : vector<16xi32>
      %broadcast_in_dim3A_822 = vector.broadcast %squeeze3A_803 : i32 to vector<16xi32>
      %gather3A_823 = arith.constant 0 : i32
      %gather3A_824 = arith.constant 0 : i32
      %gather3A_825 = arith.constant 0 : i32
      %gather3A_826 = tpu.memref_slice %arg6[%gather3A_823, %gather3A_824, %gather3A_825] : memref<8x64x128xf32, #tpu.memory_space<vmem>> -> memref<1x64x128xf32, #tpu.memory_space<vmem>>
      %gather3A_827 = tpu.memref_squeeze %gather3A_826 : memref<1x64x128xf32, #tpu.memory_space<vmem>> -> memref<64x128xf32, #tpu.memory_space<vmem>>
      %gather3A_828 = tpu.vector_load_idx %gather3A_827[%add3A_821, %broadcast_in_dim3A_822] : memref<64x128xf32, #tpu.memory_space<vmem>>[vector<16xi32>, vector<16xi32>], vector<16xf32>,
      %broadcast_in_dim3A_829 = vector.broadcast %add3A_807 : i32 to vector<16xi32>
      tpu.vector_store_idx %arg7[%add3A_821, %broadcast_in_dim3A_829], %gather3A_828 : memref<64x512xf32, #tpu.memory_space<vmem>>[vector<16xi32>, vector<16xi32>], vector<16xf32>,
      %add3A_830 = arith.constant 32 : i32
      %add3A_831 = vector.broadcast %add3A_830 : i32 to vector<16xi32>
      %add3A_832 = arith.addi %iota3A, %add3A_831 : vector<16xi32>
      %broadcast_in_dim3A_833 = vector.broadcast %squeeze3A_803 : i32 to vector<16xi32>
      %gather3A_834 = arith.constant 0 : i32
      %gather3A_835 = arith.constant 0 : i32
      %gather3A_836 = arith.constant 0 : i32
      %gather3A_837 = tpu.memref_slice %arg6[%gather3A_834, %gather3A_835, %gather3A_836] : memref<8x64x128xf32, #tpu.memory_space<vmem>> -> memref<1x64x128xf32, #tpu.memory_space<vmem>>
      %gather3A_838 = tpu.memref_squeeze %gather3A_837 : memref<1x64x128xf32, #tpu.memory_space<vmem>> -> memref<64x128xf32, #tpu.memory_space<vmem>>
      %gather3A_839 = tpu.vector_load_idx %gather3A_838[%add3A_832, %broadcast_in_dim3A_833] : memref<64x128xf32, #tpu.memory_space<vmem>>[vector<16xi32>, vector<16xi32>], vector<16xf32>,
      %broadcast_in_dim3A_840 = vector.broadcast %add3A_807 : i32 to vector<16xi32>
      tpu.vector_store_idx %arg7[%add3A_832, %broadcast_in_dim3A_840], %gather3A_839 : memref<64x512xf32, #tpu.memory_space<vmem>>[vector<16xi32>, vector<16xi32>], vector<16xf32>,
      %add3A_841 = arith.constant 48 : i32
      %add3A_842 = vector.broadcast %add3A_841 : i32 to vector<16xi32>
      %add3A_843 = arith.addi %iota3A, %add3A_842 : vector<16xi32>
      %broadcast_in_dim3A_844 = vector.broadcast %squeeze3A_803 : i32 to vector<16xi32>
      %gather3A_845 = arith.constant 0 : i32
      %gather3A_846 = arith.constant 0 : i32
      %gather3A_847 = arith.constant 0 : i32
      %gather3A_848 = tpu.memref_slice %arg6[%gather3A_845, %gather3A_846, %gather3A_847] : memref<8x64x128xf32, #tpu.memory_space<vmem>> -> memref<1x64x128xf32, #tpu.memory_space<vmem>>
      %gather3A_849 = tpu.memref_squeeze %gather3A_848 : memref<1x64x128xf32, #tpu.memory_space<vmem>> -> memref<64x128xf32, #tpu.memory_space<vmem>>
      %gather3A_850 = tpu.vector_load_idx %gather3A_849[%add3A_843, %broadcast_in_dim3A_844] : memref<64x128xf32, #tpu.memory_space<vmem>>[vector<16xi32>, vector<16xi32>], vector<16xf32>,
      %broadcast_in_dim3A_851 = vector.broadcast %add3A_807 : i32 to vector<16xi32>
      tpu.vector_store_idx %arg7[%add3A_843, %broadcast_in_dim3A_851], %gather3A_850 : memref<64x512xf32, #tpu.memory_space<vmem>>[vector<16xi32>, vector<16xi32>], vector<16xf32>,
      %dma_wait3A_852 = arith.constant 1 : i32
      %dma_wait3A_853 = arith.constant 0 : i32
      %dma_wait3A_854 = arith.constant 0 : i32
      %dma_wait3A_855 = tpu.memref_slice %arg6[%dma_wait3A_852, %dma_wait3A_853, %dma_wait3A_854] : memref<8x64x128xf32, #tpu.memory_space<vmem>> -> memref<1x64x128xf32, #tpu.memory_space<vmem>>
      %dma_wait3A_856 = tpu.memref_squeeze %dma_wait3A_855 : memref<1x64x128xf32, #tpu.memory_space<vmem>> -> memref<64x128xf32, #tpu.memory_space<vmem>>
      %dma_wait3A_857 = arith.constant 0 : i32
      %dma_wait3A_858 = arith.constant 0 : i32
      %dma_wait3A_859 = tpu.memref_slice %arg3[%dma_wait3A_857, %dma_wait3A_858] : memref<64x1000000xf32, #tpu.memory_space<hbm>> -> memref<64x128xf32, #tpu.memory_space<hbm>>
      %dma_wait3A_860 = arith.constant 0 : i32
      %dma_wait3A_861 = arith.constant 0 : i32
      %dma_wait3A_862 = tpu.memref_slice %arg6[%dma_wait3A_852, %dma_wait3A_860, %dma_wait3A_861] : memref<8x64x128xf32, #tpu.memory_space<vmem>> -> memref<1x64x128xf32, #tpu.memory_space<vmem>>
      %dma_wait3A_863 = tpu.memref_squeeze %dma_wait3A_862 : memref<1x64x128xf32, #tpu.memory_space<vmem>> -> memref<64x128xf32, #tpu.memory_space<vmem>>
      %dma_wait3A_864 = arith.constant 0 : i32
      %dma_wait3A_865 = arith.constant 0 : i32
      %dma_wait3A_866 = tpu.memref_slice %arg3[%dma_wait3A_864, %dma_wait3A_865] : memref<64x1000000xf32, #tpu.memory_space<hbm>> -> memref<64x128xf32, #tpu.memory_space<hbm>>
      tpu.wait_dma2 semaphore(%arg8 : memref<!tpu.dma_semaphore, #tpu.memory_space<semaphore_mem>>) src(%dma_wait3A_866 : memref<64x128xf32, #tpu.memory_space<hbm>>) dst(%dma_wait3A_863 : memref<64x128xf32, #tpu.memory_space<vmem>>)
      %slice3A_867 = vector.extract_strided_slice %and3A_17 {offsets = [9], sizes = [1], strides = [1]} : vector<16xi32> to vector<1xi32>
      %squeeze3A_868 = vector.extract %slice3A_867[0] : i32 from vector<1xi32>
      %mul3A_869 = arith.constant 16 : i32
      %mul3A_870 = arith.muli %scan3A_8, %mul3A_869 : i32
      %add3A_871 = arith.constant 9 : i32
      %add3A_872 = arith.addi %mul3A_870, %add3A_871 : i32
      %add3A_873 = arith.constant 0 : i32
      %add3A_874 = vector.broadcast %add3A_873 : i32 to vector<16xi32>
      %add3A_875 = arith.addi %iota3A, %add3A_874 : vector<16xi32>
      %broadcast_in_dim3A_876 = vector.broadcast %squeeze3A_868 : i32 to vector<16xi32>
      %gather3A_877 = arith.constant 1 : i32
      %gather3A_878 = arith.constant 0 : i32
      %gather3A_879 = arith.constant 0 : i32
      %gather3A_880 = tpu.memref_slice %arg6[%gather3A_877, %gather3A_878, %gather3A_879] : memref<8x64x128xf32, #tpu.memory_space<vmem>> -> memref<1x64x128xf32, #tpu.memory_space<vmem>>
      %gather3A_881 = tpu.memref_squeeze %gather3A_880 : memref<1x64x128xf32, #tpu.memory_space<vmem>> -> memref<64x128xf32, #tpu.memory_space<vmem>>
      %gather3A_882 = tpu.vector_load_idx %gather3A_881[%add3A_875, %broadcast_in_dim3A_876] : memref<64x128xf32, #tpu.memory_space<vmem>>[vector<16xi32>, vector<16xi32>], vector<16xf32>,
      %broadcast_in_dim3A_883 = vector.broadcast %add3A_872 : i32 to vector<16xi32>
      tpu.vector_store_idx %arg7[%add3A_875, %broadcast_in_dim3A_883], %gather3A_882 : memref<64x512xf32, #tpu.memory_space<vmem>>[vector<16xi32>, vector<16xi32>], vector<16xf32>,
      %add3A_884 = arith.constant 16 : i32
      %add3A_885 = vector.broadcast %add3A_884 : i32 to vector<16xi32>
      %add3A_886 = arith.addi %iota3A, %add3A_885 : vector<16xi32>
      %broadcast_in_dim3A_887 = vector.broadcast %squeeze3A_868 : i32 to vector<16xi32>
      %gather3A_888 = arith.constant 1 : i32
      %gather3A_889 = arith.constant 0 : i32
      %gather3A_890 = arith.constant 0 : i32
      %gather3A_891 = tpu.memref_slice %arg6[%gather3A_888, %gather3A_889, %gather3A_890] : memref<8x64x128xf32, #tpu.memory_space<vmem>> -> memref<1x64x128xf32, #tpu.memory_space<vmem>>
      %gather3A_892 = tpu.memref_squeeze %gather3A_891 : memref<1x64x128xf32, #tpu.memory_space<vmem>> -> memref<64x128xf32, #tpu.memory_space<vmem>>
      %gather3A_893 = tpu.vector_load_idx %gather3A_892[%add3A_886, %broadcast_in_dim3A_887] : memref<64x128xf32, #tpu.memory_space<vmem>>[vector<16xi32>, vector<16xi32>], vector<16xf32>,
      %broadcast_in_dim3A_894 = vector.broadcast %add3A_872 : i32 to vector<16xi32>
      tpu.vector_store_idx %arg7[%add3A_886, %broadcast_in_dim3A_894], %gather3A_893 : memref<64x512xf32, #tpu.memory_space<vmem>>[vector<16xi32>, vector<16xi32>], vector<16xf32>,
      %add3A_895 = arith.constant 32 : i32
      %add3A_896 = vector.broadcast %add3A_895 : i32 to vector<16xi32>
      %add3A_897 = arith.addi %iota3A, %add3A_896 : vector<16xi32>
      %broadcast_in_dim3A_898 = vector.broadcast %squeeze3A_868 : i32 to vector<16xi32>
      %gather3A_899 = arith.constant 1 : i32
      %gather3A_900 = arith.constant 0 : i32
      %gather3A_901 = arith.constant 0 : i32
      %gather3A_902 = tpu.memref_slice %arg6[%gather3A_899, %gather3A_900, %gather3A_901] : memref<8x64x128xf32, #tpu.memory_space<vmem>> -> memref<1x64x128xf32, #tpu.memory_space<vmem>>
      %gather3A_903 = tpu.memref_squeeze %gather3A_902 : memref<1x64x128xf32, #tpu.memory_space<vmem>> -> memref<64x128xf32, #tpu.memory_space<vmem>>
      %gather3A_904 = tpu.vector_load_idx %gather3A_903[%add3A_897, %broadcast_in_dim3A_898] : memref<64x128xf32, #tpu.memory_space<vmem>>[vector<16xi32>, vector<16xi32>], vector<16xf32>,
      %broadcast_in_dim3A_905 = vector.broadcast %add3A_872 : i32 to vector<16xi32>
      tpu.vector_store_idx %arg7[%add3A_897, %broadcast_in_dim3A_905], %gather3A_904 : memref<64x512xf32, #tpu.memory_space<vmem>>[vector<16xi32>, vector<16xi32>], vector<16xf32>,
      %add3A_906 = arith.constant 48 : i32
      %add3A_907 = vector.broadcast %add3A_906 : i32 to vector<16xi32>
      %add3A_908 = arith.addi %iota3A, %add3A_907 : vector<16xi32>
      %broadcast_in_dim3A_909 = vector.broadcast %squeeze3A_868 : i32 to vector<16xi32>
      %gather3A_910 = arith.constant 1 : i32
      %gather3A_911 = arith.constant 0 : i32
      %gather3A_912 = arith.constant 0 : i32
      %gather3A_913 = tpu.memref_slice %arg6[%gather3A_910, %gather3A_911, %gather3A_912] : memref<8x64x128xf32, #tpu.memory_space<vmem>> -> memref<1x64x128xf32, #tpu.memory_space<vmem>>
      %gather3A_914 = tpu.memref_squeeze %gather3A_913 : memref<1x64x128xf32, #tpu.memory_space<vmem>> -> memref<64x128xf32, #tpu.memory_space<vmem>>
      %gather3A_915 = tpu.vector_load_idx %gather3A_914[%add3A_908, %broadcast_in_dim3A_909] : memref<64x128xf32, #tpu.memory_space<vmem>>[vector<16xi32>, vector<16xi32>], vector<16xf32>,
      %broadcast_in_dim3A_916 = vector.broadcast %add3A_872 : i32 to vector<16xi32>
      tpu.vector_store_idx %arg7[%add3A_908, %broadcast_in_dim3A_916], %gather3A_915 : memref<64x512xf32, #tpu.memory_space<vmem>>[vector<16xi32>, vector<16xi32>], vector<16xf32>,
      %dma_wait3A_917 = arith.constant 2 : i32
      %dma_wait3A_918 = arith.constant 0 : i32
      %dma_wait3A_919 = arith.constant 0 : i32
      %dma_wait3A_920 = tpu.memref_slice %arg6[%dma_wait3A_917, %dma_wait3A_918, %dma_wait3A_919] : memref<8x64x128xf32, #tpu.memory_space<vmem>> -> memref<1x64x128xf32, #tpu.memory_space<vmem>>
      %dma_wait3A_921 = tpu.memref_squeeze %dma_wait3A_920 : memref<1x64x128xf32, #tpu.memory_space<vmem>> -> memref<64x128xf32, #tpu.memory_space<vmem>>
      %dma_wait3A_922 = arith.constant 0 : i32
      %dma_wait3A_923 = arith.constant 0 : i32
      %dma_wait3A_924 = tpu.memref_slice %arg3[%dma_wait3A_922, %dma_wait3A_923] : memref<64x1000000xf32, #tpu.memory_space<hbm>> -> memref<64x128xf32, #tpu.memory_space<hbm>>
      %dma_wait3A_925 = arith.constant 0 : i32
      %dma_wait3A_926 = arith.constant 0 : i32
      %dma_wait3A_927 = tpu.memref_slice %arg6[%dma_wait3A_917, %dma_wait3A_925, %dma_wait3A_926] : memref<8x64x128xf32, #tpu.memory_space<vmem>> -> memref<1x64x128xf32, #tpu.memory_space<vmem>>
      %dma_wait3A_928 = tpu.memref_squeeze %dma_wait3A_927 : memref<1x64x128xf32, #tpu.memory_space<vmem>> -> memref<64x128xf32, #tpu.memory_space<vmem>>
      %dma_wait3A_929 = arith.constant 0 : i32
      %dma_wait3A_930 = arith.constant 0 : i32
      %dma_wait3A_931 = tpu.memref_slice %arg3[%dma_wait3A_929, %dma_wait3A_930] : memref<64x1000000xf32, #tpu.memory_space<hbm>> -> memref<64x128xf32, #tpu.memory_space<hbm>>
      tpu.wait_dma2 semaphore(%arg8 : memref<!tpu.dma_semaphore, #tpu.memory_space<semaphore_mem>>) src(%dma_wait3A_931 : memref<64x128xf32, #tpu.memory_space<hbm>>) dst(%dma_wait3A_928 : memref<64x128xf32, #tpu.memory_space<vmem>>)
      %slice3A_932 = vector.extract_strided_slice %and3A_17 {offsets = [10], sizes = [1], strides = [1]} : vector<16xi32> to vector<1xi32>
      %squeeze3A_933 = vector.extract %slice3A_932[0] : i32 from vector<1xi32>
      %mul3A_934 = arith.constant 16 : i32
      %mul3A_935 = arith.muli %scan3A_8, %mul3A_934 : i32
      %add3A_936 = arith.constant 10 : i32
      %add3A_937 = arith.addi %mul3A_935, %add3A_936 : i32
      %add3A_938 = arith.constant 0 : i32
      %add3A_939 = vector.broadcast %add3A_938 : i32 to vector<16xi32>
      %add3A_940 = arith.addi %iota3A, %add3A_939 : vector<16xi32>
      %broadcast_in_dim3A_941 = vector.broadcast %squeeze3A_933 : i32 to vector<16xi32>
      %gather3A_942 = arith.constant 2 : i32
      %gather3A_943 = arith.constant 0 : i32
      %gather3A_944 = arith.constant 0 : i32
      %gather3A_945 = tpu.memref_slice %arg6[%gather3A_942, %gather3A_943, %gather3A_944] : memref<8x64x128xf32, #tpu.memory_space<vmem>> -> memref<1x64x128xf32, #tpu.memory_space<vmem>>
      %gather3A_946 = tpu.memref_squeeze %gather3A_945 : memref<1x64x128xf32, #tpu.memory_space<vmem>> -> memref<64x128xf32, #tpu.memory_space<vmem>>
      %gather3A_947 = tpu.vector_load_idx %gather3A_946[%add3A_940, %broadcast_in_dim3A_941] : memref<64x128xf32, #tpu.memory_space<vmem>>[vector<16xi32>, vector<16xi32>], vector<16xf32>,
      %broadcast_in_dim3A_948 = vector.broadcast %add3A_937 : i32 to vector<16xi32>
      tpu.vector_store_idx %arg7[%add3A_940, %broadcast_in_dim3A_948], %gather3A_947 : memref<64x512xf32, #tpu.memory_space<vmem>>[vector<16xi32>, vector<16xi32>], vector<16xf32>,
      %add3A_949 = arith.constant 16 : i32
      %add3A_950 = vector.broadcast %add3A_949 : i32 to vector<16xi32>
      %add3A_951 = arith.addi %iota3A, %add3A_950 : vector<16xi32>
      %broadcast_in_dim3A_952 = vector.broadcast %squeeze3A_933 : i32 to vector<16xi32>
      %gather3A_953 = arith.constant 2 : i32
      %gather3A_954 = arith.constant 0 : i32
      %gather3A_955 = arith.constant 0 : i32
      %gather3A_956 = tpu.memref_slice %arg6[%gather3A_953, %gather3A_954, %gather3A_955] : memref<8x64x128xf32, #tpu.memory_space<vmem>> -> memref<1x64x128xf32, #tpu.memory_space<vmem>>
      %gather3A_957 = tpu.memref_squeeze %gather3A_956 : memref<1x64x128xf32, #tpu.memory_space<vmem>> -> memref<64x128xf32, #tpu.memory_space<vmem>>
      %gather3A_958 = tpu.vector_load_idx %gather3A_957[%add3A_951, %broadcast_in_dim3A_952] : memref<64x128xf32, #tpu.memory_space<vmem>>[vector<16xi32>, vector<16xi32>], vector<16xf32>,
      %broadcast_in_dim3A_959 = vector.broadcast %add3A_937 : i32 to vector<16xi32>
      tpu.vector_store_idx %arg7[%add3A_951, %broadcast_in_dim3A_959], %gather3A_958 : memref<64x512xf32, #tpu.memory_space<vmem>>[vector<16xi32>, vector<16xi32>], vector<16xf32>,
      %add3A_960 = arith.constant 32 : i32
      %add3A_961 = vector.broadcast %add3A_960 : i32 to vector<16xi32>
      %add3A_962 = arith.addi %iota3A, %add3A_961 : vector<16xi32>
      %broadcast_in_dim3A_963 = vector.broadcast %squeeze3A_933 : i32 to vector<16xi32>
      %gather3A_964 = arith.constant 2 : i32
      %gather3A_965 = arith.constant 0 : i32
      %gather3A_966 = arith.constant 0 : i32
      %gather3A_967 = tpu.memref_slice %arg6[%gather3A_964, %gather3A_965, %gather3A_966] : memref<8x64x128xf32, #tpu.memory_space<vmem>> -> memref<1x64x128xf32, #tpu.memory_space<vmem>>
      %gather3A_968 = tpu.memref_squeeze %gather3A_967 : memref<1x64x128xf32, #tpu.memory_space<vmem>> -> memref<64x128xf32, #tpu.memory_space<vmem>>
      %gather3A_969 = tpu.vector_load_idx %gather3A_968[%add3A_962, %broadcast_in_dim3A_963] : memref<64x128xf32, #tpu.memory_space<vmem>>[vector<16xi32>, vector<16xi32>], vector<16xf32>,
      %broadcast_in_dim3A_970 = vector.broadcast %add3A_937 : i32 to vector<16xi32>
      tpu.vector_store_idx %arg7[%add3A_962, %broadcast_in_dim3A_970], %gather3A_969 : memref<64x512xf32, #tpu.memory_space<vmem>>[vector<16xi32>, vector<16xi32>], vector<16xf32>,
      %add3A_971 = arith.constant 48 : i32
      %add3A_972 = vector.broadcast %add3A_971 : i32 to vector<16xi32>
      %add3A_973 = arith.addi %iota3A, %add3A_972 : vector<16xi32>
      %broadcast_in_dim3A_974 = vector.broadcast %squeeze3A_933 : i32 to vector<16xi32>
      %gather3A_975 = arith.constant 2 : i32
      %gather3A_976 = arith.constant 0 : i32
      %gather3A_977 = arith.constant 0 : i32
      %gather3A_978 = tpu.memref_slice %arg6[%gather3A_975, %gather3A_976, %gather3A_977] : memref<8x64x128xf32, #tpu.memory_space<vmem>> -> memref<1x64x128xf32, #tpu.memory_space<vmem>>
      %gather3A_979 = tpu.memref_squeeze %gather3A_978 : memref<1x64x128xf32, #tpu.memory_space<vmem>> -> memref<64x128xf32, #tpu.memory_space<vmem>>
      %gather3A_980 = tpu.vector_load_idx %gather3A_979[%add3A_973, %broadcast_in_dim3A_974] : memref<64x128xf32, #tpu.memory_space<vmem>>[vector<16xi32>, vector<16xi32>], vector<16xf32>,
      %broadcast_in_dim3A_981 = vector.broadcast %add3A_937 : i32 to vector<16xi32>
      tpu.vector_store_idx %arg7[%add3A_973, %broadcast_in_dim3A_981], %gather3A_980 : memref<64x512xf32, #tpu.memory_space<vmem>>[vector<16xi32>, vector<16xi32>], vector<16xf32>,
      %dma_wait3A_982 = arith.constant 3 : i32
      %dma_wait3A_983 = arith.constant 0 : i32
      %dma_wait3A_984 = arith.constant 0 : i32
      %dma_wait3A_985 = tpu.memref_slice %arg6[%dma_wait3A_982, %dma_wait3A_983, %dma_wait3A_984] : memref<8x64x128xf32, #tpu.memory_space<vmem>> -> memref<1x64x128xf32, #tpu.memory_space<vmem>>
      %dma_wait3A_986 = tpu.memref_squeeze %dma_wait3A_985 : memref<1x64x128xf32, #tpu.memory_space<vmem>> -> memref<64x128xf32, #tpu.memory_space<vmem>>
      %dma_wait3A_987 = arith.constant 0 : i32
      %dma_wait3A_988 = arith.constant 0 : i32
      %dma_wait3A_989 = tpu.memref_slice %arg3[%dma_wait3A_987, %dma_wait3A_988] : memref<64x1000000xf32, #tpu.memory_space<hbm>> -> memref<64x128xf32, #tpu.memory_space<hbm>>
      %dma_wait3A_990 = arith.constant 0 : i32
      %dma_wait3A_991 = arith.constant 0 : i32
      %dma_wait3A_992 = tpu.memref_slice %arg6[%dma_wait3A_982, %dma_wait3A_990, %dma_wait3A_991] : memref<8x64x128xf32, #tpu.memory_space<vmem>> -> memref<1x64x128xf32, #tpu.memory_space<vmem>>
      %dma_wait3A_993 = tpu.memref_squeeze %dma_wait3A_992 : memref<1x64x128xf32, #tpu.memory_space<vmem>> -> memref<64x128xf32, #tpu.memory_space<vmem>>
      %dma_wait3A_994 = arith.constant 0 : i32
      %dma_wait3A_995 = arith.constant 0 : i32
      %dma_wait3A_996 = tpu.memref_slice %arg3[%dma_wait3A_994, %dma_wait3A_995] : memref<64x1000000xf32, #tpu.memory_space<hbm>> -> memref<64x128xf32, #tpu.memory_space<hbm>>
      tpu.wait_dma2 semaphore(%arg8 : memref<!tpu.dma_semaphore, #tpu.memory_space<semaphore_mem>>) src(%dma_wait3A_996 : memref<64x128xf32, #tpu.memory_space<hbm>>) dst(%dma_wait3A_993 : memref<64x128xf32, #tpu.memory_space<vmem>>)
      %slice3A_997 = vector.extract_strided_slice %and3A_17 {offsets = [11], sizes = [1], strides = [1]} : vector<16xi32> to vector<1xi32>
      %squeeze3A_998 = vector.extract %slice3A_997[0] : i32 from vector<1xi32>
      %mul3A_999 = arith.constant 16 : i32
      %mul3A_1000 = arith.muli %scan3A_8, %mul3A_999 : i32
      %add3A_1001 = arith.constant 11 : i32
      %add3A_1002 = arith.addi %mul3A_1000, %add3A_1001 : i32
      %add3A_1003 = arith.constant 0 : i32
      %add3A_1004 = vector.broadcast %add3A_1003 : i32 to vector<16xi32>
      %add3A_1005 = arith.addi %iota3A, %add3A_1004 : vector<16xi32>
      %broadcast_in_dim3A_1006 = vector.broadcast %squeeze3A_998 : i32 to vector<16xi32>
      %gather3A_1007 = arith.constant 3 : i32
      %gather3A_1008 = arith.constant 0 : i32
      %gather3A_1009 = arith.constant 0 : i32
      %gather3A_1010 = tpu.memref_slice %arg6[%gather3A_1007, %gather3A_1008, %gather3A_1009] : memref<8x64x128xf32, #tpu.memory_space<vmem>> -> memref<1x64x128xf32, #tpu.memory_space<vmem>>
      %gather3A_1011 = tpu.memref_squeeze %gather3A_1010 : memref<1x64x128xf32, #tpu.memory_space<vmem>> -> memref<64x128xf32, #tpu.memory_space<vmem>>
      %gather3A_1012 = tpu.vector_load_idx %gather3A_1011[%add3A_1005, %broadcast_in_dim3A_1006] : memref<64x128xf32, #tpu.memory_space<vmem>>[vector<16xi32>, vector<16xi32>], vector<16xf32>,
      %broadcast_in_dim3A_1013 = vector.broadcast %add3A_1002 : i32 to vector<16xi32>
      tpu.vector_store_idx %arg7[%add3A_1005, %broadcast_in_dim3A_1013], %gather3A_1012 : memref<64x512xf32, #tpu.memory_space<vmem>>[vector<16xi32>, vector<16xi32>], vector<16xf32>,
      %add3A_1014 = arith.constant 16 : i32
      %add3A_1015 = vector.broadcast %add3A_1014 : i32 to vector<16xi32>
      %add3A_1016 = arith.addi %iota3A, %add3A_1015 : vector<16xi32>
      %broadcast_in_dim3A_1017 = vector.broadcast %squeeze3A_998 : i32 to vector<16xi32>
      %gather3A_1018 = arith.constant 3 : i32
      %gather3A_1019 = arith.constant 0 : i32
      %gather3A_1020 = arith.constant 0 : i32
      %gather3A_1021 = tpu.memref_slice %arg6[%gather3A_1018, %gather3A_1019, %gather3A_1020] : memref<8x64x128xf32, #tpu.memory_space<vmem>> -> memref<1x64x128xf32, #tpu.memory_space<vmem>>
      %gather3A_1022 = tpu.memref_squeeze %gather3A_1021 : memref<1x64x128xf32, #tpu.memory_space<vmem>> -> memref<64x128xf32, #tpu.memory_space<vmem>>
      %gather3A_1023 = tpu.vector_load_idx %gather3A_1022[%add3A_1016, %broadcast_in_dim3A_1017] : memref<64x128xf32, #tpu.memory_space<vmem>>[vector<16xi32>, vector<16xi32>], vector<16xf32>,
      %broadcast_in_dim3A_1024 = vector.broadcast %add3A_1002 : i32 to vector<16xi32>
      tpu.vector_store_idx %arg7[%add3A_1016, %broadcast_in_dim3A_1024], %gather3A_1023 : memref<64x512xf32, #tpu.memory_space<vmem>>[vector<16xi32>, vector<16xi32>], vector<16xf32>,
      %add3A_1025 = arith.constant 32 : i32
      %add3A_1026 = vector.broadcast %add3A_1025 : i32 to vector<16xi32>
      %add3A_1027 = arith.addi %iota3A, %add3A_1026 : vector<16xi32>
      %broadcast_in_dim3A_1028 = vector.broadcast %squeeze3A_998 : i32 to vector<16xi32>
      %gather3A_1029 = arith.constant 3 : i32
      %gather3A_1030 = arith.constant 0 : i32
      %gather3A_1031 = arith.constant 0 : i32
      %gather3A_1032 = tpu.memref_slice %arg6[%gather3A_1029, %gather3A_1030, %gather3A_1031] : memref<8x64x128xf32, #tpu.memory_space<vmem>> -> memref<1x64x128xf32, #tpu.memory_space<vmem>>
      %gather3A_1033 = tpu.memref_squeeze %gather3A_1032 : memref<1x64x128xf32, #tpu.memory_space<vmem>> -> memref<64x128xf32, #tpu.memory_space<vmem>>
      %gather3A_1034 = tpu.vector_load_idx %gather3A_1033[%add3A_1027, %broadcast_in_dim3A_1028] : memref<64x128xf32, #tpu.memory_space<vmem>>[vector<16xi32>, vector<16xi32>], vector<16xf32>,
      %broadcast_in_dim3A_1035 = vector.broadcast %add3A_1002 : i32 to vector<16xi32>
      tpu.vector_store_idx %arg7[%add3A_1027, %broadcast_in_dim3A_1035], %gather3A_1034 : memref<64x512xf32, #tpu.memory_space<vmem>>[vector<16xi32>, vector<16xi32>], vector<16xf32>,
      %add3A_1036 = arith.constant 48 : i32
      %add3A_1037 = vector.broadcast %add3A_1036 : i32 to vector<16xi32>
      %add3A_1038 = arith.addi %iota3A, %add3A_1037 : vector<16xi32>
      %broadcast_in_dim3A_1039 = vector.broadcast %squeeze3A_998 : i32 to vector<16xi32>
      %gather3A_1040 = arith.constant 3 : i32
      %gather3A_1041 = arith.constant 0 : i32
      %gather3A_1042 = arith.constant 0 : i32
      %gather3A_1043 = tpu.memref_slice %arg6[%gather3A_1040, %gather3A_1041, %gather3A_1042] : memref<8x64x128xf32, #tpu.memory_space<vmem>> -> memref<1x64x128xf32, #tpu.memory_space<vmem>>
      %gather3A_1044 = tpu.memref_squeeze %gather3A_1043 : memref<1x64x128xf32, #tpu.memory_space<vmem>> -> memref<64x128xf32, #tpu.memory_space<vmem>>
      %gather3A_1045 = tpu.vector_load_idx %gather3A_1044[%add3A_1038, %broadcast_in_dim3A_1039] : memref<64x128xf32, #tpu.memory_space<vmem>>[vector<16xi32>, vector<16xi32>], vector<16xf32>,
      %broadcast_in_dim3A_1046 = vector.broadcast %add3A_1002 : i32 to vector<16xi32>
      tpu.vector_store_idx %arg7[%add3A_1038, %broadcast_in_dim3A_1046], %gather3A_1045 : memref<64x512xf32, #tpu.memory_space<vmem>>[vector<16xi32>, vector<16xi32>], vector<16xf32>,
      %dma_wait3A_1047 = arith.constant 4 : i32
      %dma_wait3A_1048 = arith.constant 0 : i32
      %dma_wait3A_1049 = arith.constant 0 : i32
      %dma_wait3A_1050 = tpu.memref_slice %arg6[%dma_wait3A_1047, %dma_wait3A_1048, %dma_wait3A_1049] : memref<8x64x128xf32, #tpu.memory_space<vmem>> -> memref<1x64x128xf32, #tpu.memory_space<vmem>>
      %dma_wait3A_1051 = tpu.memref_squeeze %dma_wait3A_1050 : memref<1x64x128xf32, #tpu.memory_space<vmem>> -> memref<64x128xf32, #tpu.memory_space<vmem>>
      %dma_wait3A_1052 = arith.constant 0 : i32
      %dma_wait3A_1053 = arith.constant 0 : i32
      %dma_wait3A_1054 = tpu.memref_slice %arg3[%dma_wait3A_1052, %dma_wait3A_1053] : memref<64x1000000xf32, #tpu.memory_space<hbm>> -> memref<64x128xf32, #tpu.memory_space<hbm>>
      %dma_wait3A_1055 = arith.constant 0 : i32
      %dma_wait3A_1056 = arith.constant 0 : i32
      %dma_wait3A_1057 = tpu.memref_slice %arg6[%dma_wait3A_1047, %dma_wait3A_1055, %dma_wait3A_1056] : memref<8x64x128xf32, #tpu.memory_space<vmem>> -> memref<1x64x128xf32, #tpu.memory_space<vmem>>
      %dma_wait3A_1058 = tpu.memref_squeeze %dma_wait3A_1057 : memref<1x64x128xf32, #tpu.memory_space<vmem>> -> memref<64x128xf32, #tpu.memory_space<vmem>>
      %dma_wait3A_1059 = arith.constant 0 : i32
      %dma_wait3A_1060 = arith.constant 0 : i32
      %dma_wait3A_1061 = tpu.memref_slice %arg3[%dma_wait3A_1059, %dma_wait3A_1060] : memref<64x1000000xf32, #tpu.memory_space<hbm>> -> memref<64x128xf32, #tpu.memory_space<hbm>>
      tpu.wait_dma2 semaphore(%arg8 : memref<!tpu.dma_semaphore, #tpu.memory_space<semaphore_mem>>) src(%dma_wait3A_1061 : memref<64x128xf32, #tpu.memory_space<hbm>>) dst(%dma_wait3A_1058 : memref<64x128xf32, #tpu.memory_space<vmem>>)
      %slice3A_1062 = vector.extract_strided_slice %and3A_17 {offsets = [12], sizes = [1], strides = [1]} : vector<16xi32> to vector<1xi32>
      %squeeze3A_1063 = vector.extract %slice3A_1062[0] : i32 from vector<1xi32>
      %mul3A_1064 = arith.constant 16 : i32
      %mul3A_1065 = arith.muli %scan3A_8, %mul3A_1064 : i32
      %add3A_1066 = arith.constant 12 : i32
      %add3A_1067 = arith.addi %mul3A_1065, %add3A_1066 : i32
      %add3A_1068 = arith.constant 0 : i32
      %add3A_1069 = vector.broadcast %add3A_1068 : i32 to vector<16xi32>
      %add3A_1070 = arith.addi %iota3A, %add3A_1069 : vector<16xi32>
      %broadcast_in_dim3A_1071 = vector.broadcast %squeeze3A_1063 : i32 to vector<16xi32>
      %gather3A_1072 = arith.constant 4 : i32
      %gather3A_1073 = arith.constant 0 : i32
      %gather3A_1074 = arith.constant 0 : i32
      %gather3A_1075 = tpu.memref_slice %arg6[%gather3A_1072, %gather3A_1073, %gather3A_1074] : memref<8x64x128xf32, #tpu.memory_space<vmem>> -> memref<1x64x128xf32, #tpu.memory_space<vmem>>
      %gather3A_1076 = tpu.memref_squeeze %gather3A_1075 : memref<1x64x128xf32, #tpu.memory_space<vmem>> -> memref<64x128xf32, #tpu.memory_space<vmem>>
      %gather3A_1077 = tpu.vector_load_idx %gather3A_1076[%add3A_1070, %broadcast_in_dim3A_1071] : memref<64x128xf32, #tpu.memory_space<vmem>>[vector<16xi32>, vector<16xi32>], vector<16xf32>,
      %broadcast_in_dim3A_1078 = vector.broadcast %add3A_1067 : i32 to vector<16xi32>
      tpu.vector_store_idx %arg7[%add3A_1070, %broadcast_in_dim3A_1078], %gather3A_1077 : memref<64x512xf32, #tpu.memory_space<vmem>>[vector<16xi32>, vector<16xi32>], vector<16xf32>,
      %add3A_1079 = arith.constant 16 : i32
      %add3A_1080 = vector.broadcast %add3A_1079 : i32 to vector<16xi32>
      %add3A_1081 = arith.addi %iota3A, %add3A_1080 : vector<16xi32>
      %broadcast_in_dim3A_1082 = vector.broadcast %squeeze3A_1063 : i32 to vector<16xi32>
      %gather3A_1083 = arith.constant 4 : i32
      %gather3A_1084 = arith.constant 0 : i32
      %gather3A_1085 = arith.constant 0 : i32
      %gather3A_1086 = tpu.memref_slice %arg6[%gather3A_1083, %gather3A_1084, %gather3A_1085] : memref<8x64x128xf32, #tpu.memory_space<vmem>> -> memref<1x64x128xf32, #tpu.memory_space<vmem>>
      %gather3A_1087 = tpu.memref_squeeze %gather3A_1086 : memref<1x64x128xf32, #tpu.memory_space<vmem>> -> memref<64x128xf32, #tpu.memory_space<vmem>>
      %gather3A_1088 = tpu.vector_load_idx %gather3A_1087[%add3A_1081, %broadcast_in_dim3A_1082] : memref<64x128xf32, #tpu.memory_space<vmem>>[vector<16xi32>, vector<16xi32>], vector<16xf32>,
      %broadcast_in_dim3A_1089 = vector.broadcast %add3A_1067 : i32 to vector<16xi32>
      tpu.vector_store_idx %arg7[%add3A_1081, %broadcast_in_dim3A_1089], %gather3A_1088 : memref<64x512xf32, #tpu.memory_space<vmem>>[vector<16xi32>, vector<16xi32>], vector<16xf32>,
      %add3A_1090 = arith.constant 32 : i32
      %add3A_1091 = vector.broadcast %add3A_1090 : i32 to vector<16xi32>
      %add3A_1092 = arith.addi %iota3A, %add3A_1091 : vector<16xi32>
      %broadcast_in_dim3A_1093 = vector.broadcast %squeeze3A_1063 : i32 to vector<16xi32>
      %gather3A_1094 = arith.constant 4 : i32
      %gather3A_1095 = arith.constant 0 : i32
      %gather3A_1096 = arith.constant 0 : i32
      %gather3A_1097 = tpu.memref_slice %arg6[%gather3A_1094, %gather3A_1095, %gather3A_1096] : memref<8x64x128xf32, #tpu.memory_space<vmem>> -> memref<1x64x128xf32, #tpu.memory_space<vmem>>
      %gather3A_1098 = tpu.memref_squeeze %gather3A_1097 : memref<1x64x128xf32, #tpu.memory_space<vmem>> -> memref<64x128xf32, #tpu.memory_space<vmem>>
      %gather3A_1099 = tpu.vector_load_idx %gather3A_1098[%add3A_1092, %broadcast_in_dim3A_1093] : memref<64x128xf32, #tpu.memory_space<vmem>>[vector<16xi32>, vector<16xi32>], vector<16xf32>,
      %broadcast_in_dim3A_1100 = vector.broadcast %add3A_1067 : i32 to vector<16xi32>
      tpu.vector_store_idx %arg7[%add3A_1092, %broadcast_in_dim3A_1100], %gather3A_1099 : memref<64x512xf32, #tpu.memory_space<vmem>>[vector<16xi32>, vector<16xi32>], vector<16xf32>,
      %add3A_1101 = arith.constant 48 : i32
      %add3A_1102 = vector.broadcast %add3A_1101 : i32 to vector<16xi32>
      %add3A_1103 = arith.addi %iota3A, %add3A_1102 : vector<16xi32>
      %broadcast_in_dim3A_1104 = vector.broadcast %squeeze3A_1063 : i32 to vector<16xi32>
      %gather3A_1105 = arith.constant 4 : i32
      %gather3A_1106 = arith.constant 0 : i32
      %gather3A_1107 = arith.constant 0 : i32
      %gather3A_1108 = tpu.memref_slice %arg6[%gather3A_1105, %gather3A_1106, %gather3A_1107] : memref<8x64x128xf32, #tpu.memory_space<vmem>> -> memref<1x64x128xf32, #tpu.memory_space<vmem>>
      %gather3A_1109 = tpu.memref_squeeze %gather3A_1108 : memref<1x64x128xf32, #tpu.memory_space<vmem>> -> memref<64x128xf32, #tpu.memory_space<vmem>>
      %gather3A_1110 = tpu.vector_load_idx %gather3A_1109[%add3A_1103, %broadcast_in_dim3A_1104] : memref<64x128xf32, #tpu.memory_space<vmem>>[vector<16xi32>, vector<16xi32>], vector<16xf32>,
      %broadcast_in_dim3A_1111 = vector.broadcast %add3A_1067 : i32 to vector<16xi32>
      tpu.vector_store_idx %arg7[%add3A_1103, %broadcast_in_dim3A_1111], %gather3A_1110 : memref<64x512xf32, #tpu.memory_space<vmem>>[vector<16xi32>, vector<16xi32>], vector<16xf32>,
      %dma_wait3A_1112 = arith.constant 5 : i32
      %dma_wait3A_1113 = arith.constant 0 : i32
      %dma_wait3A_1114 = arith.constant 0 : i32
      %dma_wait3A_1115 = tpu.memref_slice %arg6[%dma_wait3A_1112, %dma_wait3A_1113, %dma_wait3A_1114] : memref<8x64x128xf32, #tpu.memory_space<vmem>> -> memref<1x64x128xf32, #tpu.memory_space<vmem>>
      %dma_wait3A_1116 = tpu.memref_squeeze %dma_wait3A_1115 : memref<1x64x128xf32, #tpu.memory_space<vmem>> -> memref<64x128xf32, #tpu.memory_space<vmem>>
      %dma_wait3A_1117 = arith.constant 0 : i32
      %dma_wait3A_1118 = arith.constant 0 : i32
      %dma_wait3A_1119 = tpu.memref_slice %arg3[%dma_wait3A_1117, %dma_wait3A_1118] : memref<64x1000000xf32, #tpu.memory_space<hbm>> -> memref<64x128xf32, #tpu.memory_space<hbm>>
      %dma_wait3A_1120 = arith.constant 0 : i32
      %dma_wait3A_1121 = arith.constant 0 : i32
      %dma_wait3A_1122 = tpu.memref_slice %arg6[%dma_wait3A_1112, %dma_wait3A_1120, %dma_wait3A_1121] : memref<8x64x128xf32, #tpu.memory_space<vmem>> -> memref<1x64x128xf32, #tpu.memory_space<vmem>>
      %dma_wait3A_1123 = tpu.memref_squeeze %dma_wait3A_1122 : memref<1x64x128xf32, #tpu.memory_space<vmem>> -> memref<64x128xf32, #tpu.memory_space<vmem>>
      %dma_wait3A_1124 = arith.constant 0 : i32
      %dma_wait3A_1125 = arith.constant 0 : i32
      %dma_wait3A_1126 = tpu.memref_slice %arg3[%dma_wait3A_1124, %dma_wait3A_1125] : memref<64x1000000xf32, #tpu.memory_space<hbm>> -> memref<64x128xf32, #tpu.memory_space<hbm>>
      tpu.wait_dma2 semaphore(%arg8 : memref<!tpu.dma_semaphore, #tpu.memory_space<semaphore_mem>>) src(%dma_wait3A_1126 : memref<64x128xf32, #tpu.memory_space<hbm>>) dst(%dma_wait3A_1123 : memref<64x128xf32, #tpu.memory_space<vmem>>)
      %slice3A_1127 = vector.extract_strided_slice %and3A_17 {offsets = [13], sizes = [1], strides = [1]} : vector<16xi32> to vector<1xi32>
      %squeeze3A_1128 = vector.extract %slice3A_1127[0] : i32 from vector<1xi32>
      %mul3A_1129 = arith.constant 16 : i32
      %mul3A_1130 = arith.muli %scan3A_8, %mul3A_1129 : i32
      %add3A_1131 = arith.constant 13 : i32
      %add3A_1132 = arith.addi %mul3A_1130, %add3A_1131 : i32
      %add3A_1133 = arith.constant 0 : i32
      %add3A_1134 = vector.broadcast %add3A_1133 : i32 to vector<16xi32>
      %add3A_1135 = arith.addi %iota3A, %add3A_1134 : vector<16xi32>
      %broadcast_in_dim3A_1136 = vector.broadcast %squeeze3A_1128 : i32 to vector<16xi32>
      %gather3A_1137 = arith.constant 5 : i32
      %gather3A_1138 = arith.constant 0 : i32
      %gather3A_1139 = arith.constant 0 : i32
      %gather3A_1140 = tpu.memref_slice %arg6[%gather3A_1137, %gather3A_1138, %gather3A_1139] : memref<8x64x128xf32, #tpu.memory_space<vmem>> -> memref<1x64x128xf32, #tpu.memory_space<vmem>>
      %gather3A_1141 = tpu.memref_squeeze %gather3A_1140 : memref<1x64x128xf32, #tpu.memory_space<vmem>> -> memref<64x128xf32, #tpu.memory_space<vmem>>
      %gather3A_1142 = tpu.vector_load_idx %gather3A_1141[%add3A_1135, %broadcast_in_dim3A_1136] : memref<64x128xf32, #tpu.memory_space<vmem>>[vector<16xi32>, vector<16xi32>], vector<16xf32>,
      %broadcast_in_dim3A_1143 = vector.broadcast %add3A_1132 : i32 to vector<16xi32>
      tpu.vector_store_idx %arg7[%add3A_1135, %broadcast_in_dim3A_1143], %gather3A_1142 : memref<64x512xf32, #tpu.memory_space<vmem>>[vector<16xi32>, vector<16xi32>], vector<16xf32>,
      %add3A_1144 = arith.constant 16 : i32
      %add3A_1145 = vector.broadcast %add3A_1144 : i32 to vector<16xi32>
      %add3A_1146 = arith.addi %iota3A, %add3A_1145 : vector<16xi32>
      %broadcast_in_dim3A_1147 = vector.broadcast %squeeze3A_1128 : i32 to vector<16xi32>
      %gather3A_1148 = arith.constant 5 : i32
      %gather3A_1149 = arith.constant 0 : i32
      %gather3A_1150 = arith.constant 0 : i32
      %gather3A_1151 = tpu.memref_slice %arg6[%gather3A_1148, %gather3A_1149, %gather3A_1150] : memref<8x64x128xf32, #tpu.memory_space<vmem>> -> memref<1x64x128xf32, #tpu.memory_space<vmem>>
      %gather3A_1152 = tpu.memref_squeeze %gather3A_1151 : memref<1x64x128xf32, #tpu.memory_space<vmem>> -> memref<64x128xf32, #tpu.memory_space<vmem>>
      %gather3A_1153 = tpu.vector_load_idx %gather3A_1152[%add3A_1146, %broadcast_in_dim3A_1147] : memref<64x128xf32, #tpu.memory_space<vmem>>[vector<16xi32>, vector<16xi32>], vector<16xf32>,
      %broadcast_in_dim3A_1154 = vector.broadcast %add3A_1132 : i32 to vector<16xi32>
      tpu.vector_store_idx %arg7[%add3A_1146, %broadcast_in_dim3A_1154], %gather3A_1153 : memref<64x512xf32, #tpu.memory_space<vmem>>[vector<16xi32>, vector<16xi32>], vector<16xf32>,
      %add3A_1155 = arith.constant 32 : i32
      %add3A_1156 = vector.broadcast %add3A_1155 : i32 to vector<16xi32>
      %add3A_1157 = arith.addi %iota3A, %add3A_1156 : vector<16xi32>
      %broadcast_in_dim3A_1158 = vector.broadcast %squeeze3A_1128 : i32 to vector<16xi32>
      %gather3A_1159 = arith.constant 5 : i32
      %gather3A_1160 = arith.constant 0 : i32
      %gather3A_1161 = arith.constant 0 : i32
      %gather3A_1162 = tpu.memref_slice %arg6[%gather3A_1159, %gather3A_1160, %gather3A_1161] : memref<8x64x128xf32, #tpu.memory_space<vmem>> -> memref<1x64x128xf32, #tpu.memory_space<vmem>>
      %gather3A_1163 = tpu.memref_squeeze %gather3A_1162 : memref<1x64x128xf32, #tpu.memory_space<vmem>> -> memref<64x128xf32, #tpu.memory_space<vmem>>
      %gather3A_1164 = tpu.vector_load_idx %gather3A_1163[%add3A_1157, %broadcast_in_dim3A_1158] : memref<64x128xf32, #tpu.memory_space<vmem>>[vector<16xi32>, vector<16xi32>], vector<16xf32>,
      %broadcast_in_dim3A_1165 = vector.broadcast %add3A_1132 : i32 to vector<16xi32>
      tpu.vector_store_idx %arg7[%add3A_1157, %broadcast_in_dim3A_1165], %gather3A_1164 : memref<64x512xf32, #tpu.memory_space<vmem>>[vector<16xi32>, vector<16xi32>], vector<16xf32>,
      %add3A_1166 = arith.constant 48 : i32
      %add3A_1167 = vector.broadcast %add3A_1166 : i32 to vector<16xi32>
      %add3A_1168 = arith.addi %iota3A, %add3A_1167 : vector<16xi32>
      %broadcast_in_dim3A_1169 = vector.broadcast %squeeze3A_1128 : i32 to vector<16xi32>
      %gather3A_1170 = arith.constant 5 : i32
      %gather3A_1171 = arith.constant 0 : i32
      %gather3A_1172 = arith.constant 0 : i32
      %gather3A_1173 = tpu.memref_slice %arg6[%gather3A_1170, %gather3A_1171, %gather3A_1172] : memref<8x64x128xf32, #tpu.memory_space<vmem>> -> memref<1x64x128xf32, #tpu.memory_space<vmem>>
      %gather3A_1174 = tpu.memref_squeeze %gather3A_1173 : memref<1x64x128xf32, #tpu.memory_space<vmem>> -> memref<64x128xf32, #tpu.memory_space<vmem>>
      %gather3A_1175 = tpu.vector_load_idx %gather3A_1174[%add3A_1168, %broadcast_in_dim3A_1169] : memref<64x128xf32, #tpu.memory_space<vmem>>[vector<16xi32>, vector<16xi32>], vector<16xf32>,
      %broadcast_in_dim3A_1176 = vector.broadcast %add3A_1132 : i32 to vector<16xi32>
      tpu.vector_store_idx %arg7[%add3A_1168, %broadcast_in_dim3A_1176], %gather3A_1175 : memref<64x512xf32, #tpu.memory_space<vmem>>[vector<16xi32>, vector<16xi32>], vector<16xf32>,
      %dma_wait3A_1177 = arith.constant 6 : i32
      %dma_wait3A_1178 = arith.constant 0 : i32
      %dma_wait3A_1179 = arith.constant 0 : i32
      %dma_wait3A_1180 = tpu.memref_slice %arg6[%dma_wait3A_1177, %dma_wait3A_1178, %dma_wait3A_1179] : memref<8x64x128xf32, #tpu.memory_space<vmem>> -> memref<1x64x128xf32, #tpu.memory_space<vmem>>
      %dma_wait3A_1181 = tpu.memref_squeeze %dma_wait3A_1180 : memref<1x64x128xf32, #tpu.memory_space<vmem>> -> memref<64x128xf32, #tpu.memory_space<vmem>>
      %dma_wait3A_1182 = arith.constant 0 : i32
      %dma_wait3A_1183 = arith.constant 0 : i32
      %dma_wait3A_1184 = tpu.memref_slice %arg3[%dma_wait3A_1182, %dma_wait3A_1183] : memref<64x1000000xf32, #tpu.memory_space<hbm>> -> memref<64x128xf32, #tpu.memory_space<hbm>>
      %dma_wait3A_1185 = arith.constant 0 : i32
      %dma_wait3A_1186 = arith.constant 0 : i32
      %dma_wait3A_1187 = tpu.memref_slice %arg6[%dma_wait3A_1177, %dma_wait3A_1185, %dma_wait3A_1186] : memref<8x64x128xf32, #tpu.memory_space<vmem>> -> memref<1x64x128xf32, #tpu.memory_space<vmem>>
      %dma_wait3A_1188 = tpu.memref_squeeze %dma_wait3A_1187 : memref<1x64x128xf32, #tpu.memory_space<vmem>> -> memref<64x128xf32, #tpu.memory_space<vmem>>
      %dma_wait3A_1189 = arith.constant 0 : i32
      %dma_wait3A_1190 = arith.constant 0 : i32
      %dma_wait3A_1191 = tpu.memref_slice %arg3[%dma_wait3A_1189, %dma_wait3A_1190] : memref<64x1000000xf32, #tpu.memory_space<hbm>> -> memref<64x128xf32, #tpu.memory_space<hbm>>
      tpu.wait_dma2 semaphore(%arg8 : memref<!tpu.dma_semaphore, #tpu.memory_space<semaphore_mem>>) src(%dma_wait3A_1191 : memref<64x128xf32, #tpu.memory_space<hbm>>) dst(%dma_wait3A_1188 : memref<64x128xf32, #tpu.memory_space<vmem>>)
      %slice3A_1192 = vector.extract_strided_slice %and3A_17 {offsets = [14], sizes = [1], strides = [1]} : vector<16xi32> to vector<1xi32>
      %squeeze3A_1193 = vector.extract %slice3A_1192[0] : i32 from vector<1xi32>
      %mul3A_1194 = arith.constant 16 : i32
      %mul3A_1195 = arith.muli %scan3A_8, %mul3A_1194 : i32
      %add3A_1196 = arith.constant 14 : i32
      %add3A_1197 = arith.addi %mul3A_1195, %add3A_1196 : i32
      %add3A_1198 = arith.constant 0 : i32
      %add3A_1199 = vector.broadcast %add3A_1198 : i32 to vector<16xi32>
      %add3A_1200 = arith.addi %iota3A, %add3A_1199 : vector<16xi32>
      %broadcast_in_dim3A_1201 = vector.broadcast %squeeze3A_1193 : i32 to vector<16xi32>
      %gather3A_1202 = arith.constant 6 : i32
      %gather3A_1203 = arith.constant 0 : i32
      %gather3A_1204 = arith.constant 0 : i32
      %gather3A_1205 = tpu.memref_slice %arg6[%gather3A_1202, %gather3A_1203, %gather3A_1204] : memref<8x64x128xf32, #tpu.memory_space<vmem>> -> memref<1x64x128xf32, #tpu.memory_space<vmem>>
      %gather3A_1206 = tpu.memref_squeeze %gather3A_1205 : memref<1x64x128xf32, #tpu.memory_space<vmem>> -> memref<64x128xf32, #tpu.memory_space<vmem>>
      %gather3A_1207 = tpu.vector_load_idx %gather3A_1206[%add3A_1200, %broadcast_in_dim3A_1201] : memref<64x128xf32, #tpu.memory_space<vmem>>[vector<16xi32>, vector<16xi32>], vector<16xf32>,
      %broadcast_in_dim3A_1208 = vector.broadcast %add3A_1197 : i32 to vector<16xi32>
      tpu.vector_store_idx %arg7[%add3A_1200, %broadcast_in_dim3A_1208], %gather3A_1207 : memref<64x512xf32, #tpu.memory_space<vmem>>[vector<16xi32>, vector<16xi32>], vector<16xf32>,
      %add3A_1209 = arith.constant 16 : i32
      %add3A_1210 = vector.broadcast %add3A_1209 : i32 to vector<16xi32>
      %add3A_1211 = arith.addi %iota3A, %add3A_1210 : vector<16xi32>
      %broadcast_in_dim3A_1212 = vector.broadcast %squeeze3A_1193 : i32 to vector<16xi32>
      %gather3A_1213 = arith.constant 6 : i32
      %gather3A_1214 = arith.constant 0 : i32
      %gather3A_1215 = arith.constant 0 : i32
      %gather3A_1216 = tpu.memref_slice %arg6[%gather3A_1213, %gather3A_1214, %gather3A_1215] : memref<8x64x128xf32, #tpu.memory_space<vmem>> -> memref<1x64x128xf32, #tpu.memory_space<vmem>>
      %gather3A_1217 = tpu.memref_squeeze %gather3A_1216 : memref<1x64x128xf32, #tpu.memory_space<vmem>> -> memref<64x128xf32, #tpu.memory_space<vmem>>
      %gather3A_1218 = tpu.vector_load_idx %gather3A_1217[%add3A_1211, %broadcast_in_dim3A_1212] : memref<64x128xf32, #tpu.memory_space<vmem>>[vector<16xi32>, vector<16xi32>], vector<16xf32>,
      %broadcast_in_dim3A_1219 = vector.broadcast %add3A_1197 : i32 to vector<16xi32>
      tpu.vector_store_idx %arg7[%add3A_1211, %broadcast_in_dim3A_1219], %gather3A_1218 : memref<64x512xf32, #tpu.memory_space<vmem>>[vector<16xi32>, vector<16xi32>], vector<16xf32>,
      %add3A_1220 = arith.constant 32 : i32
      %add3A_1221 = vector.broadcast %add3A_1220 : i32 to vector<16xi32>
      %add3A_1222 = arith.addi %iota3A, %add3A_1221 : vector<16xi32>
      %broadcast_in_dim3A_1223 = vector.broadcast %squeeze3A_1193 : i32 to vector<16xi32>
      %gather3A_1224 = arith.constant 6 : i32
      %gather3A_1225 = arith.constant 0 : i32
      %gather3A_1226 = arith.constant 0 : i32
      %gather3A_1227 = tpu.memref_slice %arg6[%gather3A_1224, %gather3A_1225, %gather3A_1226] : memref<8x64x128xf32, #tpu.memory_space<vmem>> -> memref<1x64x128xf32, #tpu.memory_space<vmem>>
      %gather3A_1228 = tpu.memref_squeeze %gather3A_1227 : memref<1x64x128xf32, #tpu.memory_space<vmem>> -> memref<64x128xf32, #tpu.memory_space<vmem>>
      %gather3A_1229 = tpu.vector_load_idx %gather3A_1228[%add3A_1222, %broadcast_in_dim3A_1223] : memref<64x128xf32, #tpu.memory_space<vmem>>[vector<16xi32>, vector<16xi32>], vector<16xf32>,
      %broadcast_in_dim3A_1230 = vector.broadcast %add3A_1197 : i32 to vector<16xi32>
      tpu.vector_store_idx %arg7[%add3A_1222, %broadcast_in_dim3A_1230], %gather3A_1229 : memref<64x512xf32, #tpu.memory_space<vmem>>[vector<16xi32>, vector<16xi32>], vector<16xf32>,
      %add3A_1231 = arith.constant 48 : i32
      %add3A_1232 = vector.broadcast %add3A_1231 : i32 to vector<16xi32>
      %add3A_1233 = arith.addi %iota3A, %add3A_1232 : vector<16xi32>
      %broadcast_in_dim3A_1234 = vector.broadcast %squeeze3A_1193 : i32 to vector<16xi32>
      %gather3A_1235 = arith.constant 6 : i32
      %gather3A_1236 = arith.constant 0 : i32
      %gather3A_1237 = arith.constant 0 : i32
      %gather3A_1238 = tpu.memref_slice %arg6[%gather3A_1235, %gather3A_1236, %gather3A_1237] : memref<8x64x128xf32, #tpu.memory_space<vmem>> -> memref<1x64x128xf32, #tpu.memory_space<vmem>>
      %gather3A_1239 = tpu.memref_squeeze %gather3A_1238 : memref<1x64x128xf32, #tpu.memory_space<vmem>> -> memref<64x128xf32, #tpu.memory_space<vmem>>
      %gather3A_1240 = tpu.vector_load_idx %gather3A_1239[%add3A_1233, %broadcast_in_dim3A_1234] : memref<64x128xf32, #tpu.memory_space<vmem>>[vector<16xi32>, vector<16xi32>], vector<16xf32>,
      %broadcast_in_dim3A_1241 = vector.broadcast %add3A_1197 : i32 to vector<16xi32>
      tpu.vector_store_idx %arg7[%add3A_1233, %broadcast_in_dim3A_1241], %gather3A_1240 : memref<64x512xf32, #tpu.memory_space<vmem>>[vector<16xi32>, vector<16xi32>], vector<16xf32>,
      %dma_wait3A_1242 = arith.constant 7 : i32
      %dma_wait3A_1243 = arith.constant 0 : i32
      %dma_wait3A_1244 = arith.constant 0 : i32
      %dma_wait3A_1245 = tpu.memref_slice %arg6[%dma_wait3A_1242, %dma_wait3A_1243, %dma_wait3A_1244] : memref<8x64x128xf32, #tpu.memory_space<vmem>> -> memref<1x64x128xf32, #tpu.memory_space<vmem>>
      %dma_wait3A_1246 = tpu.memref_squeeze %dma_wait3A_1245 : memref<1x64x128xf32, #tpu.memory_space<vmem>> -> memref<64x128xf32, #tpu.memory_space<vmem>>
      %dma_wait3A_1247 = arith.constant 0 : i32
      %dma_wait3A_1248 = arith.constant 0 : i32
      %dma_wait3A_1249 = tpu.memref_slice %arg3[%dma_wait3A_1247, %dma_wait3A_1248] : memref<64x1000000xf32, #tpu.memory_space<hbm>> -> memref<64x128xf32, #tpu.memory_space<hbm>>
      %dma_wait3A_1250 = arith.constant 0 : i32
      %dma_wait3A_1251 = arith.constant 0 : i32
      %dma_wait3A_1252 = tpu.memref_slice %arg6[%dma_wait3A_1242, %dma_wait3A_1250, %dma_wait3A_1251] : memref<8x64x128xf32, #tpu.memory_space<vmem>> -> memref<1x64x128xf32, #tpu.memory_space<vmem>>
      %dma_wait3A_1253 = tpu.memref_squeeze %dma_wait3A_1252 : memref<1x64x128xf32, #tpu.memory_space<vmem>> -> memref<64x128xf32, #tpu.memory_space<vmem>>
      %dma_wait3A_1254 = arith.constant 0 : i32
      %dma_wait3A_1255 = arith.constant 0 : i32
      %dma_wait3A_1256 = tpu.memref_slice %arg3[%dma_wait3A_1254, %dma_wait3A_1255] : memref<64x1000000xf32, #tpu.memory_space<hbm>> -> memref<64x128xf32, #tpu.memory_space<hbm>>
      tpu.wait_dma2 semaphore(%arg8 : memref<!tpu.dma_semaphore, #tpu.memory_space<semaphore_mem>>) src(%dma_wait3A_1256 : memref<64x128xf32, #tpu.memory_space<hbm>>) dst(%dma_wait3A_1253 : memref<64x128xf32, #tpu.memory_space<vmem>>)
      %slice3A_1257 = vector.extract_strided_slice %and3A_17 {offsets = [15], sizes = [1], strides = [1]} : vector<16xi32> to vector<1xi32>
      %squeeze3A_1258 = vector.extract %slice3A_1257[0] : i32 from vector<1xi32>
      %mul3A_1259 = arith.constant 16 : i32
      %mul3A_1260 = arith.muli %scan3A_8, %mul3A_1259 : i32
      %add3A_1261 = arith.constant 15 : i32
      %add3A_1262 = arith.addi %mul3A_1260, %add3A_1261 : i32
      %add3A_1263 = arith.constant 0 : i32
      %add3A_1264 = vector.broadcast %add3A_1263 : i32 to vector<16xi32>
      %add3A_1265 = arith.addi %iota3A, %add3A_1264 : vector<16xi32>
      %broadcast_in_dim3A_1266 = vector.broadcast %squeeze3A_1258 : i32 to vector<16xi32>
      %gather3A_1267 = arith.constant 7 : i32
      %gather3A_1268 = arith.constant 0 : i32
      %gather3A_1269 = arith.constant 0 : i32
      %gather3A_1270 = tpu.memref_slice %arg6[%gather3A_1267, %gather3A_1268, %gather3A_1269] : memref<8x64x128xf32, #tpu.memory_space<vmem>> -> memref<1x64x128xf32, #tpu.memory_space<vmem>>
      %gather3A_1271 = tpu.memref_squeeze %gather3A_1270 : memref<1x64x128xf32, #tpu.memory_space<vmem>> -> memref<64x128xf32, #tpu.memory_space<vmem>>
      %gather3A_1272 = tpu.vector_load_idx %gather3A_1271[%add3A_1265, %broadcast_in_dim3A_1266] : memref<64x128xf32, #tpu.memory_space<vmem>>[vector<16xi32>, vector<16xi32>], vector<16xf32>,
      %broadcast_in_dim3A_1273 = vector.broadcast %add3A_1262 : i32 to vector<16xi32>
      tpu.vector_store_idx %arg7[%add3A_1265, %broadcast_in_dim3A_1273], %gather3A_1272 : memref<64x512xf32, #tpu.memory_space<vmem>>[vector<16xi32>, vector<16xi32>], vector<16xf32>,
      %add3A_1274 = arith.constant 16 : i32
      %add3A_1275 = vector.broadcast %add3A_1274 : i32 to vector<16xi32>
      %add3A_1276 = arith.addi %iota3A, %add3A_1275 : vector<16xi32>
      %broadcast_in_dim3A_1277 = vector.broadcast %squeeze3A_1258 : i32 to vector<16xi32>
      %gather3A_1278 = arith.constant 7 : i32
      %gather3A_1279 = arith.constant 0 : i32
      %gather3A_1280 = arith.constant 0 : i32
      %gather3A_1281 = tpu.memref_slice %arg6[%gather3A_1278, %gather3A_1279, %gather3A_1280] : memref<8x64x128xf32, #tpu.memory_space<vmem>> -> memref<1x64x128xf32, #tpu.memory_space<vmem>>
      %gather3A_1282 = tpu.memref_squeeze %gather3A_1281 : memref<1x64x128xf32, #tpu.memory_space<vmem>> -> memref<64x128xf32, #tpu.memory_space<vmem>>
      %gather3A_1283 = tpu.vector_load_idx %gather3A_1282[%add3A_1276, %broadcast_in_dim3A_1277] : memref<64x128xf32, #tpu.memory_space<vmem>>[vector<16xi32>, vector<16xi32>], vector<16xf32>,
      %broadcast_in_dim3A_1284 = vector.broadcast %add3A_1262 : i32 to vector<16xi32>
      tpu.vector_store_idx %arg7[%add3A_1276, %broadcast_in_dim3A_1284], %gather3A_1283 : memref<64x512xf32, #tpu.memory_space<vmem>>[vector<16xi32>, vector<16xi32>], vector<16xf32>,
      %add3A_1285 = arith.constant 32 : i32
      %add3A_1286 = vector.broadcast %add3A_1285 : i32 to vector<16xi32>
      %add3A_1287 = arith.addi %iota3A, %add3A_1286 : vector<16xi32>
      %broadcast_in_dim3A_1288 = vector.broadcast %squeeze3A_1258 : i32 to vector<16xi32>
      %gather3A_1289 = arith.constant 7 : i32
      %gather3A_1290 = arith.constant 0 : i32
      %gather3A_1291 = arith.constant 0 : i32
      %gather3A_1292 = tpu.memref_slice %arg6[%gather3A_1289, %gather3A_1290, %gather3A_1291] : memref<8x64x128xf32, #tpu.memory_space<vmem>> -> memref<1x64x128xf32, #tpu.memory_space<vmem>>
      %gather3A_1293 = tpu.memref_squeeze %gather3A_1292 : memref<1x64x128xf32, #tpu.memory_space<vmem>> -> memref<64x128xf32, #tpu.memory_space<vmem>>
      %gather3A_1294 = tpu.vector_load_idx %gather3A_1293[%add3A_1287, %broadcast_in_dim3A_1288] : memref<64x128xf32, #tpu.memory_space<vmem>>[vector<16xi32>, vector<16xi32>], vector<16xf32>,
      %broadcast_in_dim3A_1295 = vector.broadcast %add3A_1262 : i32 to vector<16xi32>
      tpu.vector_store_idx %arg7[%add3A_1287, %broadcast_in_dim3A_1295], %gather3A_1294 : memref<64x512xf32, #tpu.memory_space<vmem>>[vector<16xi32>, vector<16xi32>], vector<16xf32>,
      %add3A_1296 = arith.constant 48 : i32
      %add3A_1297 = vector.broadcast %add3A_1296 : i32 to vector<16xi32>
      %add3A_1298 = arith.addi %iota3A, %add3A_1297 : vector<16xi32>
      %broadcast_in_dim3A_1299 = vector.broadcast %squeeze3A_1258 : i32 to vector<16xi32>
      %gather3A_1300 = arith.constant 7 : i32
      %gather3A_1301 = arith.constant 0 : i32
      %gather3A_1302 = arith.constant 0 : i32
      %gather3A_1303 = tpu.memref_slice %arg6[%gather3A_1300, %gather3A_1301, %gather3A_1302] : memref<8x64x128xf32, #tpu.memory_space<vmem>> -> memref<1x64x128xf32, #tpu.memory_space<vmem>>
      %gather3A_1304 = tpu.memref_squeeze %gather3A_1303 : memref<1x64x128xf32, #tpu.memory_space<vmem>> -> memref<64x128xf32, #tpu.memory_space<vmem>>
      %gather3A_1305 = tpu.vector_load_idx %gather3A_1304[%add3A_1298, %broadcast_in_dim3A_1299] : memref<64x128xf32, #tpu.memory_space<vmem>>[vector<16xi32>, vector<16xi32>], vector<16xf32>,
      %broadcast_in_dim3A_1306 = vector.broadcast %add3A_1262 : i32 to vector<16xi32>
      tpu.vector_store_idx %arg7[%add3A_1298, %broadcast_in_dim3A_1306], %gather3A_1305 : memref<64x512xf32, #tpu.memory_space<vmem>>[vector<16xi32>, vector<16xi32>], vector<16xf32>,
    }
    %scan3A_7 = arith.constant 32 : i32
    "tpu.region"() ({
      %run_scoped3A = tpu.sem_alloc : memref<!tpu.dma_semaphore, #tpu.memory_space<semaphore_mem>>
      %dma_start3A = arith.constant 0 : i32
      %dma_start3A_8 = tpu.memref_slice %arg4[%dma_start3A, %mul3A_2] : memref<64x16384xf32, #tpu.memory_space<hbm>> -> memref<64x512xf32, #tpu.memory_space<hbm>>
      %dma_start3A_9 = arith.constant 0 : i32
      %dma_start3A_10 = tpu.memref_slice %arg4[%dma_start3A_9, %mul3A_2] : memref<64x16384xf32, #tpu.memory_space<hbm>> -> memref<64x512xf32, #tpu.memory_space<hbm>>
      tpu.enqueue_dma source(%arg7 : memref<64x512xf32, #tpu.memory_space<vmem>>) target(%dma_start3A_10 : memref<64x512xf32, #tpu.memory_space<hbm>>) target_semaphore(%run_scoped3A : memref<!tpu.dma_semaphore, #tpu.memory_space<semaphore_mem>>)
      %dma_wait3A = arith.constant 0 : i32
      %dma_wait3A_11 = tpu.memref_slice %arg4[%dma_wait3A, %mul3A_2] : memref<64x16384xf32, #tpu.memory_space<hbm>> -> memref<64x512xf32, #tpu.memory_space<hbm>>
      %dma_wait3A_12 = arith.constant 0 : i32
      %dma_wait3A_13 = tpu.memref_slice %arg4[%dma_wait3A_12, %mul3A_2] : memref<64x16384xf32, #tpu.memory_space<hbm>> -> memref<64x512xf32, #tpu.memory_space<hbm>>
      tpu.wait_dma2 semaphore(%run_scoped3A : memref<!tpu.dma_semaphore, #tpu.memory_space<semaphore_mem>>) src(%arg7 : memref<64x512xf32, #tpu.memory_space<vmem>>) dst(%dma_wait3A_13 : memref<64x512xf32, #tpu.memory_space<hbm>>)
      tpu.yield
    }) : () -> ()
    return
  }
}

</mosaic_0001>

<sc_bundles>
// kernel: kernel.3.cloned.1.call-start
scs
__scs_entry_jumppad:
0x0: {  	(pc) =	sbr.rel $0x88, $3  }
0x1: {  	(tag) =	ssettag $0x0;
	lr =	simm.s32 $0x1  }
0x2: {  	[smem:$0x3F9F] =	sst lr;
	_ =	strace $0xD0000000  }
0x3: {  	_ = 	snop  }
0x4: {  	_ = 	snop  }
0x5: {  	_ = 	snop  }
0x6: {  	_ = 	snop  }
0x7: {  	_ = 	snop  }
__scs_overlays_trampoline_lowered:
0x8: {  	[smem:$0x3FAE] =	sst s0  }
0x9: {  	[smem:$0x3FAF] =	sst s1  }
0xa: {  	[smem:$0x3FB0] =	sst s2  }
0xb: {  	[smem:$0x3FB1] =	sst s3  }
0xc: {  	[smem:$0x3FB2] =	sst s4  }
0xd: {  	[smem:$0x3FB3] =	sst s5  }
0xe: {  	[smem:$0x3FB4] =	sst s6  }
0xf: {  	[smem:$0x3FB5] =	sst s7  }
0x10: {  	[smem:$0x3FB6] =	sst s8  }
0x11: {  	[smem:$0x3FB7] =	sst s9;
	s0 =	simm.s32 @!p0 $0x0  }
0x12: {  	s1 =	sld [smem:$0x3F9D];
	s0 =	simm.s32 @p0 $0x1  }
0x13: {  	[smem:$0x3FB8] =	sst s0;
	s0 =	simm.s32 @!p1 $0x0  }
0x14: {  	s2 =	sld [smem:$0x3F9C];
	s0 =	simm.s32 @p1 $0x1  }
0x15: {  	[smem:$0x3FB9] =	sst s0;
	s0 =	simm.s32 @!p2 $0x0  }
0x16: {  	s3 =	sld [smem:$0x3FDB];
	s0 =	simm.s32 @p2 $0x1  }
0x17: {  	s4 =	simm.s32 $0x1BF5;
	[smem:$0x3FBB] =	sst s0  }
0x18: {  	s0 =	sld [smem:$0x3F9E];
	_ =	swait.ge [sflag:s4], $0x0  }
0x19: {  	s7 =	sld [smem:$0x3F9F]  }
0x1a: {  	s8 =	sadd.s32 $0xFFFFE003, lr  }
0x1b: {  	s9 =	sadd.s32 $0xFFFFFEF7, lr;
	s5 =	simm.s32 $0xFFFFFFFF;
	p2 =	slt.u32 s8, $0xFFFFF086  }
0x1c: {  	p1 =	slt.u32 s9, $0xF7A;
	s5 =	simm.s32 @!p2 $0x0  }
0x1d: {  	s5 =	simm.s32 @p1 $0x1;
	p0 =	seq.s32 s7, s2  }
0x1e: {  	s7 =	smul.u32 @!p0 $0xF7A, s2;
	p2 =	seq.s32 @!p0 s5, $0x0  }
0x1f: {  	s9 =	smul.u32 $0xF7A, s1;
	s8 =	simm.s32 @!p0 $0x1BF5;
	p2 =	por !p2, p0  }
0x20: {  	[sflag:s8] =	ssyncset.s32 @!p0 $0xFFFFF086;
	s6 =	sadd.s32 @!p0 s3, s7;
	s7 =	simm.s32 @!p0 $0x108  }
0x21: {  	s3 =	sadd.s32 s3, s9;
	s6 =	sadd.s32 @!p0 $0x88, s6;
	s7 =	simm.s32 @p2 $0x1082  }
0x22: {  	[simem:s7], [sflag:s8] =	dma.local @!p0 [hbm:s6], $0xF7A  }
0x23: {  	s9 =	sor.u32 $0xD0000000, s2;
	s6 =	simm.s32 $0x108;
	_ =	swait.ge @!p0 [sflag:s8], $0x0  }
0x24: {  	s3 =	sadd.s32 $0x88, s3;
	s6 =	simm.s32 @!p1 $0x1082;
	[sflag:s4] =	ssyncset.s32 $0xFFFFF086  }
0x25: {  	[simem:s6], [sflag:s4] =	dma.local [hbm:s3], $0xF7A  }
0x26: {  	[smem:$0x3F9F] =	sst s1;
	(tag) =	ssettag s2;
	_ =	strace s9  }
0x27: {  	s1 =	sld [smem:$0x3FAF]  }
0x28: {  	s2 =	sld [smem:$0x3FB0]  }
0x29: {  	s4 =	sld [smem:$0x3FB2]  }
0x2a: {  	p0 =	seq.s32 s5, $0x0;
	s5 =	sld [smem:$0x3FB3]  }
0x2b: {  	s6 =	sld [smem:$0x3FB4]  }
0x2c: {  	s7 =	sld [smem:$0x3FB5]  }
0x2d: {  	s3 =	simm.s32 $0x108;
	s8 =	sld [smem:$0x3FB6]  }
0x2e: {  	s3 =	simm.s32 @!p0 $0x1082;
	s9 =	sld [smem:$0x3FB7]  }
0x2f: {  	lr =	sadd.s32 s0, s3;
	s0 =	sld [smem:$0x3FAE]  }
0x30: {  	s3 =	sld [smem:$0x3FB1]  }
0x31: {  	[smem:$0x3FBA] =	sst s10  }
0x32: {  	s10 =	sld [smem:$0x3FB8];
	_ =	sdelay $0x3  }
0x33: {  	p0 =	seq.s32 s10, $0x1;
	s10 =	sld [smem:$0x3FBA];
	_ =	sdelay $0x3  }
0x34: {  	[smem:$0x3FBA] =	sst s10  }
0x35: {  	s10 =	sld [smem:$0x3FB9];
	_ =	sdelay $0x3  }
0x36: {  	p1 =	seq.s32 s10, $0x1;
	s10 =	sld [smem:$0x3FBA];
	_ =	sdelay $0x3  }
0x37: {  	[smem:$0x3FBA] =	sst s10  }
0x38: {  	s10 =	sld [smem:$0x3FBB]  }
0x39: {  	_ = 	snop;
	(pc) =	sbr.ind lr, $3  }
0x3a: {  	_ = 	snop  }
0x3b: {  	_ = 	snop  }
0x3c: {  	p2 =	seq.s32 s10, $0x1;
	s10 =	sld [smem:$0x3FBA]  }
0x3d: {  	_ =	shalt  }
0x3e: {  	_ =	shalt  }
0x3f: {  	_ =	shalt  }
0x40: {  	_ =	shalt  }
0x41: {  	_ =	shalt  }
0x42: {  	_ =	shalt  }
0x43: {  	_ =	shalt  }
0x44: {  	_ =	shalt  }
0x45: {  	_ =	shalt  }
0x46: {  	_ =	shalt  }
0x47: {  	_ =	shalt  }
0x48: {  	_ =	shalt  }
0x49: {  	_ =	shalt  }
0x4a: {  	_ =	shalt  }
0x4b: {  	_ =	shalt  }
0x4c: {  	_ =	shalt  }
0x4d: {  	_ =	shalt  }
0x4e: {  	_ =	shalt  }
0x4f: {  	_ =	shalt  }
0x50: {  	_ =	shalt  }
0x51: {  	_ =	shalt  }
0x52: {  	_ =	shalt  }
0x53: {  	_ =	shalt  }
0x54: {  	_ =	shalt  }
0x55: {  	_ =	shalt  }
0x56: {  	_ =	shalt  }
0x57: {  	_ =	shalt  }
0x58: {  	_ =	shalt  }
0x59: {  	_ =	shalt  }
0x5a: {  	_ =	shalt  }
0x5b: {  	_ =	shalt  }
0x5c: {  	_ =	shalt  }
0x5d: {  	_ =	shalt  }
0x5e: {  	_ =	shalt  }
0x5f: {  	_ =	shalt  }
0x60: {  	_ =	shalt  }
0x61: {  	_ =	shalt  }
0x62: {  	_ =	shalt  }
0x63: {  	_ =	shalt  }
0x64: {  	_ =	shalt  }
0x65: {  	_ =	shalt  }
0x66: {  	_ =	shalt  }
0x67: {  	_ =	shalt  }
0x68: {  	_ =	shalt  }
0x69: {  	_ =	shalt  }
0x6a: {  	_ =	shalt  }
0x6b: {  	_ =	shalt  }
0x6c: {  	_ =	shalt  }
0x6d: {  	_ =	shalt  }
0x6e: {  	_ =	shalt  }
0x6f: {  	_ =	shalt  }
0x70: {  	_ =	shalt  }
0x71: {  	_ =	shalt  }
0x72: {  	_ =	shalt  }
0x73: {  	_ =	shalt  }
0x74: {  	_ =	shalt  }
0x75: {  	_ =	shalt  }
0x76: {  	_ =	shalt  }
0x77: {  	_ =	shalt  }
0x78: {  	_ =	shalt  }
0x79: {  	_ =	shalt  }
0x7a: {  	_ =	shalt  }
0x7b: {  	_ =	shalt  }
0x7c: {  	_ =	shalt  }
0x7d: {  	_ =	shalt  }
0x7e: {  	_ =	shalt  }
0x7f: {  	_ =	shalt  }
0x80: {  	_ =	shalt  }
0x81: {  	_ =	shalt  }
0x82: {  	_ =	shalt  }
0x83: {  	_ =	shalt  }
0x84: {  	_ =	shalt  }
0x85: {  	_ =	shalt  }
0x86: {  	_ =	shalt  }
0x87: {  	_ =	shalt  }
.Lfunc_end0:
.L_simem_size_0:
called_computation_lowered:
.L_overlay_start_0:
0x88: {  	s2 =	sld [smem:$0x3FD9]  }
0x89: {  	s3 =	sld [smem:$0x3FFE];
	_ =	sdelay $0x1  }
0x8a: {  	s1 =	srdreg.scid  }
0x8b: {  	s0 =	sand.u32 $0x1, s1  }
0x8c: {  	s18 =	sshll.u32 s0, $0xA;
	s2 =	sadd.s32 s3, s2  }
0x8d: {  	s2 =	sadd.s32 s2, s18  }
0x8e: {  	[smem:$0x3FC6] =	sst s2  }
0x8f: {  	_ = 	snop  }
0x90: {  	s2 =	sld [smem:$0x3FC9]  }
0x91: {  	s19 =	sld [smem:$0x3FC8]  }
0x92: {  	s4 =	sld [smem:$0x3FD0];
	(tm) =	ssettm $0x1  }
0x93: {  	s5 =	sld [smem:$0x3FFB];
	_ =	sdelay $0x3  }
0x94: {  	_ =	strace s5  }
0x95: {  	s5 =	sld [smem:$0x3FFC];
	_ =	sdelay $0x3  }
0x96: {  	_ =	strace s5  }
0x97: {  	s5 =	sld [smem:$0x3FFD];
	_ =	sdelay $0x3  }
0x98: {  	_ =	strace s5  }
0x99: {  	_ =	strace $0x8FFFFFFF  }
0x9a: {  	s20 =	sld [smem:$0x3FDB];
	_ =	sdelay $0x1  }
0x9b: {  	s6 =	simm.s32 $_scs_section_size  }
0x9c: {  	s7 =	simm.s32 $_size__tile_overlayer_lowered;
	s8 =	simm.s32 $_tile_overlayer_lowered  }
0x9d: {  	s23 =	simm.s32 $0x1BFF;
	s22 =	sshll.u32 s8, $0x1;
	s5 =	sadd.s32 s6, s20  }
0x9e: {  	s9 =	simm.s32 $0x0;
	s21 =	sshll.u32 s7, $0x1;
	s7 =	sadd.s32 s22, s5  }
0x9f: {  	[timem:s9], [sflag:s23] =	dma.local [hbm:s7], s21  }
0xa0: {  	_ =	swait.ge [sflag:s23], s21  }
0xa1: {  	s6 =	ssub.s32 $0x0, s21;
	[sflag:s23] =	ssyncset.done $0x0  }
0xa2: {  	[sflag:s23] =	ssyncadd.s32 s6;
	_ =	sdelay $0x1  }
0xa3: {  	s24 =	simm.s32 $0x1B8B  }
0xa4: {  	_ =	swait.ge [sflag:s24], $0x1  }
0xa5: {  	[sflag:s24] =	ssyncset.done $0x0  }
0xa6: {  	s25 =	simm.s32 $0x1B8E;
	[sflag:s24] =	ssyncadd.s32 $0xFFFFFFFF  }
0xa7: {  	s26 =	simm.s32 $execute0_lowered;
	[smem:$0x3FD2] =	sst s25  }
0xa8: {  	s6 =	sshll.u32 s26, $0x1;
	_ =	strace $0x80000046;
	[dreg:$0x1] =	wrdreg $0xFFFFFFFF  }
0xa9: {  	s28 =	simm.s32 $_size_execute0_lowered;
	s5 =	sadd.s32 s5, s6;
	[dreg:$0x0] =	wrdreg $0x0  }
0xaa: {  	s6 =	sshll.u32 s28, $0x1;
	[dreg:$0x2] =	wrdreg s5  }
0xab: {  	[dreg:$0x3] =	wrdreg s6  }
0xac: {  	[dreg:$0x4] =	wrdreg $0xC0  }
0xad: {  	_ =	task [dreg:s9], $0x5FFFF  }
0xae: {  	[dreg:$0x1] =	wrdreg $0xFFFFFFFF  }
0xaf: {  	[dreg:$0x0] =	wrdreg $0x60  }
0xb0: {  	[dreg:$0x2] =	wrdreg s2  }
0xb1: {  	[dreg:$0x3] =	wrdreg s19  }
0xb2: {  	[dreg:$0x4] =	wrdreg s4  }
0xb3: {  	[dreg:$0x5] =	wrdreg $0x9  }
0xb4: {  	_ =	task.clear_ibuf [dreg:s9], $0x6FFFF;
	_ =	strace $0x90000046  }
0xb5: {  	s29 =	simm.s32 $0x9;
	_ =	strace $0x80000048  }
0xb6: {  	_ =	swait.ge [sflag:s29], $0x1  }
0xb7: {  	[sflag:s29] =	ssyncadd.s32 $0xFFFFFFFF  }
0xb8: {  	_ =	strace $0x90000048  }
0xb9: {  	_ =	sfence  }
0xba: {  	s30 =	sld [smem:$0x0];
	_ =	sdelay $0x2  }
0xbb: {  	s31 =	sshll.u32 s1, $0xD;
	s1 =	sshrl.u32 s1, $0x2  }
0xbc: {  	s3 =	sand.u32 $0x4000, s31;
	s1 =	sadd.s32 s1, s30  }
0xbd: {  	s0 =	sor.u32 s3, s0;
	s1 =	sshll.u32 s1, $0x11  }
0xbe: {  	s0 =	sor.u32 s1, s0  }
0xbf: {  	s0 =	sadd.s32 $0x8F2B, s0  }
0xc0: {  	[sflag:s0] =	ssyncadd.remote.s32 $0x1  }
0xc1: {  	_ =	sfence.sel $0xFFFF  }
0xc2: {  	[dreg:$0x0] =	wrdreg $0xFFFFFFFF;
	(pc) =	sbr.abs _section_cstart, $3  }
0xc3: {  	[dreg:$0x1] =	wrdreg $0xFFFFFFFF  }
0xc4: {  	_ =	task.clear_ibuf [dreg:s9], $0x2FFFF;
	_ =	strace $0x9FFFFFFF  }
0xc5: {  	(tm) =	ssettm $0x7FFFFFFF  }
tec
execute0_lowered:
.L_overlay_start_1:
0x0: {  	(tag) =	ssettag $0x1  }
0x1: {  	v0 =	vimm.s32 $0x1380;
	vm14 =	vcmask $0x300;
	vm13 =	vcmask $0x704  }
0x2: {  	vm12 =	vcmask $0xB08;
	vm11 =	vcmask $0xF0C;
	vm10 =	vcmask $0x1310  }
0x3: {  	vm9 =	vcmask $0x1714;
	vm8 =	vcmask $0x1B18;
	vm7 =	vcmask $0x1F1C  }
0x4: {  	vm6 =	vcmask $0x2320;
	vm5 =	vcmask $0x2724;
	vm4 =	vcmask $0x2B28  }
0x5: {  	vm3 =	vcmask $0x2F2C;
	v1 =	vlaneseq.u32;
	vm2 =	vcmask $0x3330  }
0x6: {  	vm1 =	vcmask $0x3734;
	vm0 =	vcmask $0x3B38;
	v3 =	vimm.s32 $0x3380  }
0x7: {  	v4 =	vimm.s32 $0x5380;
	v5 =	vimm.s32 $0x7380;
	v0 =	vsel vm14, $0x0, v0  }
0x8: {  	v3 =	vsel vm14, $0x2000, v3;
	v4 =	vsel vm14, $0x4000, v4;
	v5 =	vsel vm14, $0x6000, v5  }
0x9: {  	v0 =	vsel vm13, $0x80, v0;
	v3 =	vsel vm13, $0x2080, v3;
	v4 =	vsel vm13, $0x4080, v4  }
0xa: {  	v5 =	vsel vm13, $0x6080, v5;
	v0 =	vsel vm12, $0x100, v0;
	v3 =	vsel vm12, $0x2100, v3  }
0xb: {  	v4 =	vsel vm12, $0x4100, v4;
	v5 =	vsel vm12, $0x6100, v5;
	v0 =	vsel vm11, $0x180, v0  }
0xc: {  	v3 =	vsel vm11, $0x2180, v3;
	v4 =	vsel vm11, $0x4180, v4;
	v5 =	vsel vm11, $0x6180, v5  }
0xd: {  	v0 =	vsel vm10, $0x200, v0;
	v3 =	vsel vm10, $0x2200, v3;
	v4 =	vsel vm10, $0x4200, v4  }
0xe: {  	v5 =	vsel vm10, $0x6200, v5;
	v0 =	vsel vm9, $0x280, v0;
	v3 =	vsel vm9, $0x2280, v3  }
0xf: {  	s3 =	rddreg [dreg:$0x0];
	v4 =	vsel vm9, $0x4280, v4;
	v5 =	vsel vm9, $0x6280, v5;
	v0 =	vsel vm8, $0x300, v0  }
0x10: {  	s0 =	rddreg [dreg:$0x1];
	v3 =	vsel vm8, $0x2300, v3;
	v4 =	vsel vm8, $0x4300, v4;
	v5 =	vsel vm8, $0x6300, v5  }
0x11: {  	s1 =	srdreg.scid;
	s4 =	rddreg [dreg:$0x2];
	v0 =	vsel vm7, $0x380, v0;
	v3 =	vsel vm7, $0x2380, v3;
	v4 =	vsel vm7, $0x4380, v4  }
0x12: {  	s2 =	simm.s32 $0x0;
	s9 =	simm.s32 $0x200;
	s10 =	simm.s32 $0x2200;
	v5 =	vsel vm7, $0x6380, v5;
	v0 =	vsel vm6, $0x1000, v0;
	v3 =	vsel vm6, $0x3000, v3  }
0x13: {  	s11 =	simm.s32 $0x4200;
	s12 =	simm.s32 $0x6200;
	s13 =	simm.s32 $0x8200;
	v4 =	vsel vm6, $0x5000, v4;
	v5 =	vsel vm6, $0x7000, v5;
	v0 =	vsel vm5, $0x1080, v0  }
0x14: {  	s14 =	simm.s32 $0xA200;
	s15 =	simm.s32 $0xC200;
	s16 =	simm.s32 $0xE200;
	v3 =	vsel vm5, $0x3080, v3;
	v4 =	vsel vm5, $0x5080, v4;
	v5 =	vsel vm5, $0x7080, v5  }
0x15: {  	s17 =	simm.s32 $0x1;
	s18 =	simm.s32 $0x10200;
	s19 =	simm.s32 $0x1000;
	v0 =	vsel vm4, $0x1100, v0;
	v3 =	vsel vm4, $0x3100, v3;
	v4 =	vsel vm4, $0x5100, v4  }
0x16: {  	s20 =	simm.s32 $0x20000;
	s21 =	simm.s32 $0x0;
	[dreg:$0x4] =	wrdreg s0;
	v5 =	vsel vm4, $0x7100, v5;
	v2 =	vsel vm3, $0x1180, v0;
	v0 =	vmul.u32 $0x80, v1  }
0x17: {  	s0 =	stileid.u32;
	s5 =	sand.u32 $0x1, s1;
	s1 =	rddreg [dreg:$0x3];
	v3 =	vsel vm3, $0x3180, v3;
	v4 =	vsel vm3, $0x5180, v4;
	v5 =	vsel vm3, $0x7180, v5  }
0x18: {  	[smem:$0x7FF] =	sst s2;
	s6 =	sshll.u32 s0, $0xA;
	s7 =	sshll.u32 s5, $0x9;
	v1 =	vsel vm2, $0x1200, v2;
	v3 =	vsel vm2, $0x3200, v3;
	v6 =	vsel vm2, $0x5200, v4  }
0x19: {  	s5 =	ssub.s32 $0x2, s5;
	_ =	strace $0x80000047;
	s6 =	sor.u32 s7, s6;
	v5 =	vsel vm2, $0x7200, v5;
	v1 =	vsel vm1, $0x1280, v1;
	v2 =	vor.u32 $0x800, v0  }
0x1a: {  	s31 =	sshrl.u32 s5, $0x1;
	s7 =	simm.s32 $0x2;
	s8 =	sshrl.u32 s6, $0x3;
	v3 =	vsel vm1, $0x3280, v3;
	v4 =	vor.u32 $0x1000, v0;
	v6 =	vsel vm1, $0x5280, v6  }
0x1b: {  	s5 =	ssub.s32 s5, s31;
	s4 =	sadd.s32 s4, s6;
	s6 =	simm.s32 $0x400;
	v7 =	vsel vm1, $0x7280, v5;
	v1 =	vsel vm0, $0x1300, v1;
	v3 =	vsel vm0, $0x3300, v3  }
0x1c: {  	s3 =	sadd.s32 s3, s8;
	s5 =	smax.u32 s5, $0x1;
	s8 =	simm.s32 $0x7A1400;
	v5 =	vsel vm0, $0x5300, v6;
	v6 =	vor.u32 $0x1800, v0;
	v7 =	vsel vm0, $0x7300, v7  }
.LBB2_1:
0x1d: {  	[tilespmem:s2], [sflag:$0x2] =	stream.linear.gather [hbm4b:s3+s2], $0x200, $0x38;
	[tilespmem:$0x18200] =	vst v63  }
0x1e: {  	_ =	swait.ge [sflag:s7], $0x200  }
0x1f: {  	[sflag:s7] =	ssyncset.done $0x0  }
0x20: {  	s22 =	simm.s32 $0xF;
	s23 =	simm.s32 $0x0;
	[sflag:s7] =	ssyncadd.s32 $0xFFFFFE00  }
.LBB2_2:
0x21: {  	v8 =	vld [tilespmem:s23+$0x0];
	_ =	sdelay $0x4  }
0x22: {  	s24 =	rddreg [dreg:$0x4];
	v9 =	vand.u32 $0xFFFFFF80, v8  }
0x23: {  	v9 =	vadd.s32 s24, v9  }
0x24: {  	(v2sf) =	vpush v9, $0x0;
	_ =	sdelay $0x1  }
0x25: {  	(v2sf) =	vpush v9, $0x1;
	_ =	sdelay $0x1  }
0x26: {  	(v2sf) =	vpush v9, $0x2;
	_ =	sdelay $0x1  }
0x27: {  	(v2sf) =	vpush v9, $0x3;
	_ =	sdelay $0x1  }
0x28: {  	(v2sf) =	vpush v9, $0x4;
	_ =	sdelay $0x1  }
0x29: {  	(v2sf) =	vpush v9, $0x5;
	_ =	sdelay $0x1  }
0x2a: {  	(v2sf) =	vpush v9, $0x6;
	_ =	sdelay $0x1  }
0x2b: {  	(v2sf) =	vpush v9, $0x7  }
0x2c: {  	s25 =	spop (v2sf)  }
0x2d: {  	[tilespmem:s9], [sflag:$0x1] =	stream.strided.gather [hbm4b:s25+s6], $0x2000, s8, s6, $0x38;
	[tilespmem:$0x18200] =	vst v63  }
0x2e: {  	s26 =	spop (v2sf)  }
0x2f: {  	[tilespmem:s10], [sflag:$0x1] =	stream.strided.gather [hbm4b:s26+s6], $0x2000, s8, s6, $0x38;
	[tilespmem:$0x18200] =	vst v63  }
0x30: {  	s28 =	spop (v2sf)  }
0x31: {  	[tilespmem:s11], [sflag:$0x1] =	stream.strided.gather [hbm4b:s28+s6], $0x2000, s8, s6, $0x38;
	[tilespmem:$0x18200] =	vst v63  }
0x32: {  	s29 =	spop (v2sf)  }
0x33: {  	[tilespmem:s12], [sflag:$0x1] =	stream.strided.gather [hbm4b:s29+s6], $0x2000, s8, s6, $0x38;
	[tilespmem:$0x18200] =	vst v63  }
0x34: {  	s30 =	spop (v2sf)  }
0x35: {  	[tilespmem:s13], [sflag:$0x1] =	stream.strided.gather [hbm4b:s30+s6], $0x2000, s8, s6, $0x38;
	[tilespmem:$0x18200] =	vst v63  }
0x36: {  	s31 =	spop (v2sf)  }
0x37: {  	v8 =	vand.u32 $0x7F, v8;
	[tilespmem:s14], [sflag:$0x1] =	stream.strided.gather [hbm4b:s31+s6], $0x2000, s8, s6, $0x38;
	[tilespmem:$0x18200] =	vst v63  }
0x38: {  	v10 =	vbroadcast v8, $0x0;
	s25 =	spop (v2sf)  }
0x39: {  	[tilespmem:s15], [sflag:$0x1] =	stream.strided.gather [hbm4b:s25+s6], $0x2000, s8, s6, $0x38;
	[tilespmem:$0x18200] =	vst v63  }
0x3a: {  	v11 =	vor.u32 v0, v10;
	s26 =	sadd.s32 $0xFFFFFFF1, s22;
	s25 =	spop (v2sf)  }
0x3b: {  	v12 =	vmov s26;
	[tilespmem:s16], [sflag:$0x1] =	stream.strided.gather [hbm4b:s25+s6], $0x2000, s8, s6, $0x38;
	[tilespmem:$0x18200] =	vst v63  }
0x3c: {  	v13 =	vshll.u32 v12, $0x3;
	_ =	swait.ge [sflag:s17], $0x2000  }
0x3d: {  	v12 =	vand.u32 $0x70, v12;
	v13 =	vand.u32 $0xC00, v13;
	[sflag:s17] =	ssyncset.done $0x0  }
0x3e: {  	v12 =	vor.u32 v12, v13;
	[sflag:s17] =	ssyncadd.s32 $0xFFFFE000  }
0x3f: {  	v13 =	vor.u32 v1, v12;
	v11 =	vld.idx.msk [tilespmem:v11+s9+$0x0], $0xffff  }
0x40: {  	v14 =	vor.u32 v2, v10;
	_ =	sdelay $0x3  }
0x41: {  	[tilespmem:v13+s18+$0x0] =	vst.idx.msk $0xffff, v11  }
0x42: {  	v21 =	vor.u32 v3, v12;
	v11 =	vld.idx.msk [tilespmem:v14+s9+$0x0], $0xffff  }
0x43: {  	v22 =	vor.u32 v4, v10  }
0x44: {  	(v2sf) =	vpush v9, $0x8;
	_ =	sdelay $0x2  }
0x45: {  	[tilespmem:v21+s18+$0x0] =	vst.idx.msk $0xffff, v11  }
0x46: {  	v23 =	vor.u32 v5, v12;
	v11 =	vld.idx.msk [tilespmem:v22+s9+$0x0], $0xffff  }
0x47: {  	v10 =	vor.u32 v6, v10;
	_ =	sdelay $0x3  }
0x48: {  	[tilespmem:v23+s18+$0x0] =	vst.idx.msk $0xffff, v11  }
0x49: {  	v24 =	vor.u32 v7, v12;
	v10 =	vld.idx.msk [tilespmem:v10+s9+$0x0], $0xffff;
	_ =	sdelay $0x2  }
0x4a: {  	v25 =	vbroadcast v8, $0x1;
	_ =	sdelay $0x1  }
0x4b: {  	v26 =	vor.u32 v0, v25;
	s29 =	sadd.s32 $0xFFFFFFF2, s22;
	s28 =	spop (v2sf);
	[tilespmem:v24+s18+$0x0] =	vst.idx.msk $0xffff, v10  }
0x4c: {  	v27 =	vmov s29;
	[tilespmem:s9], [sflag:$0x1] =	stream.strided.gather [hbm4b:s28+s6], $0x2000, s8, s6, $0x38;
	[tilespmem:$0x18200] =	vst v63  }
0x4d: {  	v28 =	vshll.u32 v27, $0x3;
	_ =	swait.ge [sflag:s17], $0x2000  }
0x4e: {  	v13 =	vand.u32 $0xC00, v28;
	v11 =	vand.u32 $0x71, v27;
	[sflag:s17] =	ssyncset.done $0x0  }
0x4f: {  	v11 =	vor.u32 v11, v13;
	[sflag:s17] =	ssyncadd.s32 $0xFFFFE000  }
0x50: {  	v13 =	vor.u32 v1, v11;
	v10 =	vld.idx.msk [tilespmem:v26+s10+$0x0], $0xffff  }
0x51: {  	v29 =	vor.u32 v2, v25;
	_ =	sdelay $0x3  }
0x52: {  	[tilespmem:v13+s18+$0x0] =	vst.idx.msk $0xffff, v10  }
0x53: {  	v30 =	vor.u32 v3, v11;
	v10 =	vld.idx.msk [tilespmem:v29+s10+$0x0], $0xffff  }
0x54: {  	v31 =	vor.u32 v4, v25  }
0x55: {  	(v2sf) =	vpush v9, $0x9;
	_ =	sdelay $0x2  }
0x56: {  	[tilespmem:v30+s18+$0x0] =	vst.idx.msk $0xffff, v10  }
0x57: {  	v32 =	vor.u32 v5, v11;
	v10 =	vld.idx.msk [tilespmem:v31+s10+$0x0], $0xffff  }
0x58: {  	v12 =	vor.u32 v6, v25;
	_ =	sdelay $0x3  }
0x59: {  	[tilespmem:v32+s18+$0x0] =	vst.idx.msk $0xffff, v10  }
0x5a: {  	v11 =	vor.u32 v7, v11;
	v10 =	vld.idx.msk [tilespmem:v12+s10+$0x0], $0xffff;
	_ =	sdelay $0x2  }
0x5b: {  	v33 =	vbroadcast v8, $0x2;
	_ =	sdelay $0x1  }
0x5c: {  	v34 =	vor.u32 v0, v33;
	s31 =	sadd.s32 $0xFFFFFFF3, s22;
	s30 =	spop (v2sf);
	[tilespmem:v11+s18+$0x0] =	vst.idx.msk $0xffff, v10  }
0x5d: {  	v35 =	vmov s31;
	[tilespmem:s10], [sflag:$0x1] =	stream.strided.gather [hbm4b:s30+s6], $0x2000, s8, s6, $0x38;
	[tilespmem:$0x18200] =	vst v63  }
0x5e: {  	v36 =	vshll.u32 v35, $0x3;
	_ =	swait.ge [sflag:s17], $0x2000  }
0x5f: {  	v13 =	vand.u32 $0xC00, v36;
	v11 =	vand.u32 $0x72, v35;
	[sflag:s17] =	ssyncset.done $0x0  }
0x60: {  	v11 =	vor.u32 v11, v13;
	[sflag:s17] =	ssyncadd.s32 $0xFFFFE000  }
0x61: {  	v13 =	vor.u32 v1, v11;
	v10 =	vld.idx.msk [tilespmem:v34+s11+$0x0], $0xffff  }
0x62: {  	v37 =	vor.u32 v2, v33;
	_ =	sdelay $0x3  }
0x63: {  	[tilespmem:v13+s18+$0x0] =	vst.idx.msk $0xffff, v10  }
0x64: {  	v38 =	vor.u32 v3, v11;
	v10 =	vld.idx.msk [tilespmem:v37+s11+$0x0], $0xffff  }
0x65: {  	v39 =	vor.u32 v4, v33  }
0x66: {  	(v2sf) =	vpush v9, $0xA;
	_ =	sdelay $0x2  }
0x67: {  	[tilespmem:v38+s18+$0x0] =	vst.idx.msk $0xffff, v10  }
0x68: {  	v40 =	vor.u32 v5, v11;
	v10 =	vld.idx.msk [tilespmem:v39+s11+$0x0], $0xffff  }
0x69: {  	v12 =	vor.u32 v6, v33;
	_ =	sdelay $0x3  }
0x6a: {  	[tilespmem:v40+s18+$0x0] =	vst.idx.msk $0xffff, v10  }
0x6b: {  	v11 =	vor.u32 v7, v11;
	v10 =	vld.idx.msk [tilespmem:v12+s11+$0x0], $0xffff;
	_ =	sdelay $0x2  }
0x6c: {  	v41 =	vbroadcast v8, $0x3;
	_ =	sdelay $0x1  }
0x6d: {  	v42 =	vor.u32 v0, v41;
	s26 =	sadd.s32 $0xFFFFFFF4, s22;
	s25 =	spop (v2sf);
	[tilespmem:v11+s18+$0x0] =	vst.idx.msk $0xffff, v10  }
0x6e: {  	v43 =	vmov s26;
	[tilespmem:s11], [sflag:$0x1] =	stream.strided.gather [hbm4b:s25+s6], $0x2000, s8, s6, $0x38;
	[tilespmem:$0x18200] =	vst v63  }
0x6f: {  	v44 =	vshll.u32 v43, $0x3;
	_ =	swait.ge [sflag:s17], $0x2000  }
0x70: {  	v13 =	vand.u32 $0xC00, v44;
	v11 =	vand.u32 $0x73, v43;
	[sflag:s17] =	ssyncset.done $0x0  }
0x71: {  	v11 =	vor.u32 v11, v13;
	[sflag:s17] =	ssyncadd.s32 $0xFFFFE000  }
0x72: {  	v13 =	vor.u32 v1, v11;
	v10 =	vld.idx.msk [tilespmem:v42+s12+$0x0], $0xffff  }
0x73: {  	v45 =	vor.u32 v2, v41;
	_ =	sdelay $0x3  }
0x74: {  	[tilespmem:v13+s18+$0x0] =	vst.idx.msk $0xffff, v10  }
0x75: {  	v46 =	vor.u32 v3, v11;
	v10 =	vld.idx.msk [tilespmem:v45+s12+$0x0], $0xffff  }
0x76: {  	v47 =	vor.u32 v4, v41  }
0x77: {  	(v2sf) =	vpush v9, $0xB;
	_ =	sdelay $0x2  }
0x78: {  	[tilespmem:v46+s18+$0x0] =	vst.idx.msk $0xffff, v10  }
0x79: {  	v48 =	vor.u32 v5, v11;
	v10 =	vld.idx.msk [tilespmem:v47+s12+$0x0], $0xffff  }
0x7a: {  	v12 =	vor.u32 v6, v41;
	_ =	sdelay $0x3  }
0x7b: {  	[tilespmem:v48+s18+$0x0] =	vst.idx.msk $0xffff, v10  }
0x7c: {  	v11 =	vor.u32 v7, v11;
	v10 =	vld.idx.msk [tilespmem:v12+s12+$0x0], $0xffff;
	_ =	sdelay $0x2  }
0x7d: {  	v49 =	vbroadcast v8, $0x4;
	_ =	sdelay $0x1  }
0x7e: {  	v50 =	vor.u32 v0, v49;
	s29 =	sadd.s32 $0xFFFFFFF5, s22;
	s28 =	spop (v2sf);
	[tilespmem:v11+s18+$0x0] =	vst.idx.msk $0xffff, v10  }
0x7f: {  	v51 =	vmov s29;
	[tilespmem:s12], [sflag:$0x1] =	stream.strided.gather [hbm4b:s28+s6], $0x2000, s8, s6, $0x38;
	[tilespmem:$0x18200] =	vst v63  }
0x80: {  	v52 =	vshll.u32 v51, $0x3;
	_ =	swait.ge [sflag:s17], $0x2000  }
0x81: {  	v13 =	vand.u32 $0xC00, v52;
	v11 =	vand.u32 $0x74, v51;
	[sflag:s17] =	ssyncset.done $0x0  }
0x82: {  	v11 =	vor.u32 v11, v13;
	[sflag:s17] =	ssyncadd.s32 $0xFFFFE000  }
0x83: {  	v13 =	vor.u32 v1, v11;
	v10 =	vld.idx.msk [tilespmem:v50+s13+$0x0], $0xffff  }
0x84: {  	v53 =	vor.u32 v2, v49;
	_ =	sdelay $0x3  }
0x85: {  	[tilespmem:v13+s18+$0x0] =	vst.idx.msk $0xffff, v10  }
0x86: {  	v54 =	vor.u32 v3, v11;
	v10 =	vld.idx.msk [tilespmem:v53+s13+$0x0], $0xffff  }
0x87: {  	v55 =	vor.u32 v4, v49  }
0x88: {  	(v2sf) =	vpush v9, $0xC;
	_ =	sdelay $0x2  }
0x89: {  	[tilespmem:v54+s18+$0x0] =	vst.idx.msk $0xffff, v10  }
0x8a: {  	v56 =	vor.u32 v5, v11;
	v10 =	vld.idx.msk [tilespmem:v55+s13+$0x0], $0xffff  }
0x8b: {  	v12 =	vor.u32 v6, v49;
	_ =	sdelay $0x3  }
0x8c: {  	[tilespmem:v56+s18+$0x0] =	vst.idx.msk $0xffff, v10  }
0x8d: {  	v11 =	vor.u32 v7, v11;
	v10 =	vld.idx.msk [tilespmem:v12+s13+$0x0], $0xffff;
	_ =	sdelay $0x2  }
0x8e: {  	v57 =	vbroadcast v8, $0x5;
	_ =	sdelay $0x1  }
0x8f: {  	v58 =	vor.u32 v0, v57;
	s31 =	sadd.s32 $0xFFFFFFF6, s22;
	s30 =	spop (v2sf);
	[tilespmem:v11+s18+$0x0] =	vst.idx.msk $0xffff, v10  }
0x90: {  	v59 =	vmov s31;
	[tilespmem:s13], [sflag:$0x1] =	stream.strided.gather [hbm4b:s30+s6], $0x2000, s8, s6, $0x38;
	[tilespmem:$0x18200] =	vst v63  }
0x91: {  	v60 =	vshll.u32 v59, $0x3;
	_ =	swait.ge [sflag:s17], $0x2000  }
0x92: {  	v13 =	vand.u32 $0xC00, v60;
	v11 =	vand.u32 $0x75, v59;
	[sflag:s17] =	ssyncset.done $0x0  }
0x93: {  	v11 =	vor.u32 v11, v13;
	[sflag:s17] =	ssyncadd.s32 $0xFFFFE000  }
0x94: {  	v13 =	vor.u32 v1, v11;
	v10 =	vld.idx.msk [tilespmem:v58+s14+$0x0], $0xffff  }
0x95: {  	v61 =	vor.u32 v2, v57;
	_ =	sdelay $0x3  }
0x96: {  	[tilespmem:v13+s18+$0x0] =	vst.idx.msk $0xffff, v10  }
0x97: {  	v62 =	vor.u32 v3, v11;
	v10 =	vld.idx.msk [tilespmem:v61+s14+$0x0], $0xffff  }
0x98: {  	v63 =	vor.u32 v4, v57  }
0x99: {  	(v2sf) =	vpush v9, $0xD;
	_ =	sdelay $0x2  }
0x9a: {  	[tilespmem:v62+s18+$0x0] =	vst.idx.msk $0xffff, v10  }
0x9b: {  	v16 =	vor.u32 v5, v11;
	v10 =	vld.idx.msk [tilespmem:v63+s14+$0x0], $0xffff  }
0x9c: {  	v12 =	vor.u32 v6, v57;
	_ =	sdelay $0x3  }
0x9d: {  	[tilespmem:v16+s18+$0x0] =	vst.idx.msk $0xffff, v10  }
0x9e: {  	v11 =	vor.u32 v7, v11;
	v10 =	vld.idx.msk [tilespmem:v12+s14+$0x0], $0xffff;
	_ =	sdelay $0x2  }
0x9f: {  	v17 =	vbroadcast v8, $0x6;
	_ =	sdelay $0x1  }
0xa0: {  	v18 =	vor.u32 v0, v17;
	s26 =	sadd.s32 $0xFFFFFFF7, s22;
	s25 =	spop (v2sf);
	[tilespmem:v11+s18+$0x0] =	vst.idx.msk $0xffff, v10  }
0xa1: {  	v19 =	vmov s26;
	[tilespmem:s14], [sflag:$0x1] =	stream.strided.gather [hbm4b:s25+s6], $0x2000, s8, s6, $0x38;
	[tilespmem:$0x18200] =	vst v63  }
0xa2: {  	v20 =	vshll.u32 v19, $0x3;
	_ =	swait.ge [sflag:s17], $0x2000  }
0xa3: {  	v13 =	vand.u32 $0xC00, v20;
	v11 =	vand.u32 $0x76, v19;
	[sflag:s17] =	ssyncset.done $0x0  }
0xa4: {  	v11 =	vor.u32 v11, v13;
	[sflag:s17] =	ssyncadd.s32 $0xFFFFE000  }
0xa5: {  	v13 =	vor.u32 v1, v11;
	v10 =	vld.idx.msk [tilespmem:v18+s15+$0x0], $0xffff  }
0xa6: {  	v21 =	vor.u32 v2, v17;
	_ =	sdelay $0x3  }
0xa7: {  	[tilespmem:v13+s18+$0x0] =	vst.idx.msk $0xffff, v10  }
0xa8: {  	v22 =	vor.u32 v3, v11;
	v10 =	vld.idx.msk [tilespmem:v21+s15+$0x0], $0xffff  }
0xa9: {  	v23 =	vor.u32 v4, v17  }
0xaa: {  	(v2sf) =	vpush v9, $0xE;
	_ =	sdelay $0x2  }
0xab: {  	[tilespmem:v22+s18+$0x0] =	vst.idx.msk $0xffff, v10  }
0xac: {  	v24 =	vor.u32 v5, v11;
	v10 =	vld.idx.msk [tilespmem:v23+s15+$0x0], $0xffff  }
0xad: {  	v12 =	vor.u32 v6, v17;
	_ =	sdelay $0x3  }
0xae: {  	[tilespmem:v24+s18+$0x0] =	vst.idx.msk $0xffff, v10  }
0xaf: {  	v11 =	vor.u32 v7, v11;
	v10 =	vld.idx.msk [tilespmem:v12+s15+$0x0], $0xffff;
	_ =	sdelay $0x2  }
0xb0: {  	v25 =	vbroadcast v8, $0x7;
	_ =	sdelay $0x1  }
0xb1: {  	s29 =	sadd.s32 $0xFFFFFFF8, s22;
	v26 =	vor.u32 v0, v25;
	s28 =	spop (v2sf);
	[tilespmem:v11+s18+$0x0] =	vst.idx.msk $0xffff, v10  }
0xb2: {  	v27 =	vmov s29;
	[tilespmem:s15], [sflag:$0x1] =	stream.strided.gather [hbm4b:s28+s6], $0x2000, s8, s6, $0x38;
	[tilespmem:$0x18200] =	vst v63  }
0xb3: {  	v28 =	vshll.u32 v27, $0x3;
	_ =	swait.ge [sflag:s17], $0x2000  }
0xb4: {  	v13 =	vand.u32 $0xC00, v28;
	v11 =	vand.u32 $0x77, v27;
	[sflag:s17] =	ssyncset.done $0x0  }
0xb5: {  	v11 =	vor.u32 v11, v13;
	[sflag:s17] =	ssyncadd.s32 $0xFFFFE000  }
0xb6: {  	v13 =	vor.u32 v1, v11;
	v10 =	vld.idx.msk [tilespmem:v26+s16+$0x0], $0xffff  }
0xb7: {  	v29 =	vor.u32 v2, v25;
	_ =	sdelay $0x3  }
0xb8: {  	[tilespmem:v13+s18+$0x0] =	vst.idx.msk $0xffff, v10  }
0xb9: {  	v30 =	vor.u32 v3, v11;
	v10 =	vld.idx.msk [tilespmem:v29+s16+$0x0], $0xffff  }
0xba: {  	v31 =	vor.u32 v4, v25  }
0xbb: {  	(v2sf) =	vpush v9, $0xF;
	_ =	sdelay $0x2  }
0xbc: {  	[tilespmem:v30+s18+$0x0] =	vst.idx.msk $0xffff, v10  }
0xbd: {  	v33 =	vor.u32 v5, v11;
	v32 =	vld.idx.msk [tilespmem:v31+s16+$0x0], $0xffff  }
0xbe: {  	v12 =	vor.u32 v6, v25;
	_ =	sdelay $0x3  }
0xbf: {  	[tilespmem:v33+s18+$0x0] =	vst.idx.msk $0xffff, v32  }
0xc0: {  	v34 =	vor.u32 v7, v11;
	v9 =	vld.idx.msk [tilespmem:v12+s16+$0x0], $0xffff;
	_ =	sdelay $0x2  }
0xc1: {  	v35 =	vbroadcast v8, $0x8;
	_ =	sdelay $0x1  }
0xc2: {  	s31 =	sadd.s32 $0xFFFFFFF9, s22;
	v36 =	vor.u32 v0, v35;
	s30 =	spop (v2sf);
	[tilespmem:v34+s18+$0x0] =	vst.idx.msk $0xffff, v9  }
0xc3: {  	v37 =	vmov s31;
	[tilespmem:s16], [sflag:$0x1] =	stream.strided.gather [hbm4b:s30+s6], $0x2000, s8, s6, $0x38;
	[tilespmem:$0x18200] =	vst v63  }
0xc4: {  	v38 =	vshll.u32 v37, $0x3;
	_ =	swait.ge [sflag:s17], $0x2000  }
0xc5: {  	v10 =	vand.u32 $0x78, v37;
	v12 =	vand.u32 $0xC00, v38;
	[sflag:s17] =	ssyncset.done $0x0  }
0xc6: {  	v10 =	vor.u32 v10, v12;
	[sflag:s17] =	ssyncadd.s32 $0xFFFFE000  }
0xc7: {  	v12 =	vor.u32 v1, v10;
	v9 =	vld.idx.msk [tilespmem:v36+s9+$0x0], $0xffff  }
0xc8: {  	v39 =	vor.u32 v2, v35;
	_ =	sdelay $0x3  }
0xc9: {  	[tilespmem:v12+s18+$0x0] =	vst.idx.msk $0xffff, v9  }
0xca: {  	v40 =	vor.u32 v3, v10;
	v9 =	vld.idx.msk [tilespmem:v39+s9+$0x0], $0xffff  }
0xcb: {  	v41 =	vor.u32 v4, v35;
	_ =	sdelay $0x3  }
0xcc: {  	[tilespmem:v40+s18+$0x0] =	vst.idx.msk $0xffff, v9  }
0xcd: {  	v42 =	vor.u32 v5, v10;
	v9 =	vld.idx.msk [tilespmem:v41+s9+$0x0], $0xffff  }
0xce: {  	v11 =	vor.u32 v6, v35;
	_ =	sdelay $0x3  }
0xcf: {  	[tilespmem:v42+s18+$0x0] =	vst.idx.msk $0xffff, v9  }
0xd0: {  	v10 =	vor.u32 v7, v10;
	v9 =	vld.idx.msk [tilespmem:v11+s9+$0x0], $0xffff;
	_ =	sdelay $0x1  }
0xd1: {  	v43 =	vbroadcast v8, $0x9;
	_ =	sdelay $0x1  }
0xd2: {  	v44 =	vor.u32 v0, v43;
	s25 =	sadd.s32 $0xFFFFFFFA, s22  }
0xd3: {  	v45 =	vmov s25;
	[tilespmem:v10+s18+$0x0] =	vst.idx.msk $0xffff, v9  }
0xd4: {  	v46 =	vshll.u32 v45, $0x3;
	_ =	swait.ge [sflag:s17], $0x2000  }
0xd5: {  	v9 =	vand.u32 $0x79, v45;
	v10 =	vand.u32 $0xC00, v46;
	[sflag:s17] =	ssyncset.done $0x0  }
0xd6: {  	v9 =	vor.u32 v9, v10;
	[sflag:s17] =	ssyncadd.s32 $0xFFFFE000  }
0xd7: {  	v48 =	vor.u32 v1, v9;
	v47 =	vld.idx.msk [tilespmem:v44+s10+$0x0], $0xffff  }
0xd8: {  	v49 =	vor.u32 v2, v43;
	_ =	sdelay $0x3  }
0xd9: {  	[tilespmem:v48+s18+$0x0] =	vst.idx.msk $0xffff, v47  }
0xda: {  	v50 =	vor.u32 v3, v9;
	v10 =	vld.idx.msk [tilespmem:v49+s10+$0x0], $0xffff  }
0xdb: {  	v51 =	vor.u32 v4, v43;
	_ =	sdelay $0x3  }
0xdc: {  	[tilespmem:v50+s18+$0x0] =	vst.idx.msk $0xffff, v10  }
0xdd: {  	v52 =	vor.u32 v5, v9;
	v10 =	vld.idx.msk [tilespmem:v51+s10+$0x0], $0xffff  }
0xde: {  	v11 =	vor.u32 v6, v43;
	_ =	sdelay $0x3  }
0xdf: {  	[tilespmem:v52+s18+$0x0] =	vst.idx.msk $0xffff, v10  }
0xe0: {  	v9 =	vor.u32 v7, v9;
	v10 =	vld.idx.msk [tilespmem:v11+s10+$0x0], $0xffff;
	_ =	sdelay $0x1  }
0xe1: {  	v53 =	vbroadcast v8, $0xA;
	_ =	sdelay $0x1  }
0xe2: {  	s26 =	sadd.s32 $0xFFFFFFFB, s22;
	v54 =	vor.u32 v0, v53  }
0xe3: {  	v55 =	vmov s26;
	[tilespmem:v9+s18+$0x0] =	vst.idx.msk $0xffff, v10  }
0xe4: {  	v56 =	vshll.u32 v55, $0x3;
	_ =	swait.ge [sflag:s17], $0x2000  }
0xe5: {  	v9 =	vand.u32 $0x7A, v55;
	v10 =	vand.u32 $0xC00, v56;
	[sflag:s17] =	ssyncset.done $0x0  }
0xe6: {  	v9 =	vor.u32 v9, v10;
	[sflag:s17] =	ssyncadd.s32 $0xFFFFE000  }
0xe7: {  	v58 =	vor.u32 v1, v9;
	v57 =	vld.idx.msk [tilespmem:v54+s11+$0x0], $0xffff  }
0xe8: {  	v59 =	vor.u32 v2, v53;
	_ =	sdelay $0x3  }
0xe9: {  	[tilespmem:v58+s18+$0x0] =	vst.idx.msk $0xffff, v57  }
0xea: {  	v60 =	vor.u32 v3, v9;
	v10 =	vld.idx.msk [tilespmem:v59+s11+$0x0], $0xffff  }
0xeb: {  	v61 =	vor.u32 v4, v53;
	_ =	sdelay $0x3  }
0xec: {  	[tilespmem:v60+s18+$0x0] =	vst.idx.msk $0xffff, v10  }
0xed: {  	v62 =	vor.u32 v5, v9;
	v10 =	vld.idx.msk [tilespmem:v61+s11+$0x0], $0xffff  }
0xee: {  	v11 =	vor.u32 v6, v53;
	_ =	sdelay $0x3  }
0xef: {  	[tilespmem:v62+s18+$0x0] =	vst.idx.msk $0xffff, v10  }
0xf0: {  	v9 =	vor.u32 v7, v9;
	v10 =	vld.idx.msk [tilespmem:v11+s11+$0x0], $0xffff;
	_ =	sdelay $0x1  }
0xf1: {  	v63 =	vbroadcast v8, $0xB;
	_ =	sdelay $0x1  }
0xf2: {  	v16 =	vor.u32 v0, v63;
	s28 =	sadd.s32 $0xFFFFFFFC, s22  }
0xf3: {  	v17 =	vmov s28;
	[tilespmem:v9+s18+$0x0] =	vst.idx.msk $0xffff, v10  }
0xf4: {  	v18 =	vshll.u32 v17, $0x3;
	_ =	swait.ge [sflag:s17], $0x2000  }
0xf5: {  	v9 =	vand.u32 $0x7B, v17;
	v10 =	vand.u32 $0xC00, v18;
	[sflag:s17] =	ssyncset.done $0x0  }
0xf6: {  	v9 =	vor.u32 v9, v10;
	[sflag:s17] =	ssyncadd.s32 $0xFFFFE000  }
0xf7: {  	v20 =	vor.u32 v1, v9;
	v19 =	vld.idx.msk [tilespmem:v16+s12+$0x0], $0xffff  }
0xf8: {  	v21 =	vor.u32 v2, v63;
	_ =	sdelay $0x3  }
0xf9: {  	[tilespmem:v20+s18+$0x0] =	vst.idx.msk $0xffff, v19  }
0xfa: {  	v22 =	vor.u32 v3, v9;
	v10 =	vld.idx.msk [tilespmem:v21+s12+$0x0], $0xffff  }
0xfb: {  	v23 =	vor.u32 v4, v63;
	_ =	sdelay $0x3  }
0xfc: {  	[tilespmem:v22+s18+$0x0] =	vst.idx.msk $0xffff, v10  }
0xfd: {  	v24 =	vor.u32 v5, v9;
	v10 =	vld.idx.msk [tilespmem:v23+s12+$0x0], $0xffff  }
0xfe: {  	v11 =	vor.u32 v6, v63;
	_ =	sdelay $0x3  }
0xff: {  	[tilespmem:v24+s18+$0x0] =	vst.idx.msk $0xffff, v10  }
0x100: {  	v9 =	vor.u32 v7, v9;
	v10 =	vld.idx.msk [tilespmem:v11+s12+$0x0], $0xffff;
	_ =	sdelay $0x1  }
0x101: {  	v25 =	vbroadcast v8, $0xC;
	_ =	sdelay $0x1  }
0x102: {  	s29 =	sadd.s32 $0xFFFFFFFD, s22;
	v26 =	vor.u32 v0, v25  }
0x103: {  	v27 =	vmov s29;
	[tilespmem:v9+s18+$0x0] =	vst.idx.msk $0xffff, v10  }
0x104: {  	v28 =	vshll.u32 v27, $0x3;
	_ =	swait.ge [sflag:s17], $0x2000  }
0x105: {  	v9 =	vand.u32 $0x7C, v27;
	v10 =	vand.u32 $0xC00, v28;
	[sflag:s17] =	ssyncset.done $0x0  }
0x106: {  	v9 =	vor.u32 v9, v10;
	[sflag:s17] =	ssyncadd.s32 $0xFFFFE000  }
0x107: {  	v30 =	vor.u32 v1, v9;
	v29 =	vld.idx.msk [tilespmem:v26+s13+$0x0], $0xffff  }
0x108: {  	v31 =	vor.u32 v2, v25;
	_ =	sdelay $0x3  }
0x109: {  	[tilespmem:v30+s18+$0x0] =	vst.idx.msk $0xffff, v29  }
0x10a: {  	v32 =	vor.u32 v3, v9;
	v10 =	vld.idx.msk [tilespmem:v31+s13+$0x0], $0xffff  }
0x10b: {  	v33 =	vor.u32 v4, v25;
	_ =	sdelay $0x3  }
0x10c: {  	[tilespmem:v32+s18+$0x0] =	vst.idx.msk $0xffff, v10  }
0x10d: {  	v34 =	vor.u32 v5, v9;
	v10 =	vld.idx.msk [tilespmem:v33+s13+$0x0], $0xffff  }
0x10e: {  	v11 =	vor.u32 v6, v25;
	_ =	sdelay $0x3  }
0x10f: {  	[tilespmem:v34+s18+$0x0] =	vst.idx.msk $0xffff, v10  }
0x110: {  	v9 =	vor.u32 v7, v9;
	v10 =	vld.idx.msk [tilespmem:v11+s13+$0x0], $0xffff;
	_ =	sdelay $0x1  }
0x111: {  	v35 =	vbroadcast v8, $0xD;
	_ =	sdelay $0x1  }
0x112: {  	s30 =	sadd.s32 $0xFFFFFFFE, s22;
	v36 =	vor.u32 v0, v35  }
0x113: {  	v37 =	vmov s30;
	[tilespmem:v9+s18+$0x0] =	vst.idx.msk $0xffff, v10  }
0x114: {  	v38 =	vshll.u32 v37, $0x3;
	_ =	swait.ge [sflag:s17], $0x2000  }
0x115: {  	v9 =	vand.u32 $0x7D, v37;
	v10 =	vand.u32 $0xC00, v38;
	[sflag:s17] =	ssyncset.done $0x0  }
0x116: {  	v9 =	vor.u32 v9, v10;
	[sflag:s17] =	ssyncadd.s32 $0xFFFFE000  }
0x117: {  	v40 =	vor.u32 v1, v9;
	v39 =	vld.idx.msk [tilespmem:v36+s14+$0x0], $0xffff  }
0x118: {  	v41 =	vor.u32 v2, v35;
	_ =	sdelay $0x3  }
0x119: {  	[tilespmem:v40+s18+$0x0] =	vst.idx.msk $0xffff, v39  }
0x11a: {  	v42 =	vor.u32 v3, v9;
	v10 =	vld.idx.msk [tilespmem:v41+s14+$0x0], $0xffff  }
0x11b: {  	v43 =	vor.u32 v4, v35;
	_ =	sdelay $0x3  }
0x11c: {  	[tilespmem:v42+s18+$0x0] =	vst.idx.msk $0xffff, v10  }
0x11d: {  	v44 =	vor.u32 v5, v9;
	v10 =	vld.idx.msk [tilespmem:v43+s14+$0x0], $0xffff  }
0x11e: {  	v11 =	vor.u32 v6, v35;
	_ =	sdelay $0x3  }
0x11f: {  	[tilespmem:v44+s18+$0x0] =	vst.idx.msk $0xffff, v10  }
0x120: {  	v9 =	vor.u32 v7, v9;
	v10 =	vld.idx.msk [tilespmem:v11+s14+$0x0], $0xffff;
	_ =	sdelay $0x1  }
0x121: {  	v45 =	vbroadcast v8, $0xE;
	_ =	sdelay $0x1  }
0x122: {  	s31 =	sadd.s32 $0xFFFFFFFF, s22;
	v46 =	vor.u32 v0, v45  }
0x123: {  	v47 =	vmov s31;
	[tilespmem:v9+s18+$0x0] =	vst.idx.msk $0xffff, v10  }
0x124: {  	v48 =	vshll.u32 v47, $0x3;
	_ =	swait.ge [sflag:s17], $0x2000  }
0x125: {  	v9 =	vand.u32 $0x7E, v47;
	v10 =	vand.u32 $0xC00, v48;
	[sflag:s17] =	ssyncset.done $0x0  }
0x126: {  	v9 =	vor.u32 v9, v10;
	[sflag:s17] =	ssyncadd.s32 $0xFFFFE000  }
0x127: {  	v50 =	vor.u32 v1, v9;
	v49 =	vld.idx.msk [tilespmem:v46+s15+$0x0], $0xffff  }
0x128: {  	v51 =	vor.u32 v2, v45;
	_ =	sdelay $0x3  }
0x129: {  	[tilespmem:v50+s18+$0x0] =	vst.idx.msk $0xffff, v49  }
0x12a: {  	v52 =	vor.u32 v3, v9;
	v10 =	vld.idx.msk [tilespmem:v51+s15+$0x0], $0xffff  }
0x12b: {  	v53 =	vor.u32 v4, v45;
	_ =	sdelay $0x3  }
0x12c: {  	[tilespmem:v52+s18+$0x0] =	vst.idx.msk $0xffff, v10  }
0x12d: {  	v54 =	vor.u32 v5, v9;
	v10 =	vld.idx.msk [tilespmem:v53+s15+$0x0], $0xffff  }
0x12e: {  	v11 =	vor.u32 v6, v45;
	_ =	sdelay $0x3  }
0x12f: {  	[tilespmem:v54+s18+$0x0] =	vst.idx.msk $0xffff, v10  }
0x130: {  	v9 =	vor.u32 v7, v9;
	v10 =	vld.idx.msk [tilespmem:v11+s15+$0x0], $0xffff;
	_ =	sdelay $0x1  }
0x131: {  	v8 =	vbroadcast v8, $0xF;
	_ =	sdelay $0x1  }
0x132: {  	v55 =	vor.u32 v0, v8  }
0x133: {  	v56 =	vmov s22;
	[tilespmem:v9+s18+$0x0] =	vst.idx.msk $0xffff, v10  }
0x134: {  	v57 =	vshll.u32 v56, $0x3;
	_ =	swait.ge [sflag:s17], $0x2000  }
0x135: {  	v9 =	vand.u32 $0x7F, v56;
	v10 =	vand.u32 $0xC00, v57;
	[sflag:s17] =	ssyncset.done $0x0  }
0x136: {  	v9 =	vor.u32 v9, v10;
	[sflag:s17] =	ssyncadd.s32 $0xFFFFE000  }
0x137: {  	v59 =	vor.u32 v1, v9;
	v58 =	vld.idx.msk [tilespmem:v55+s16+$0x0], $0xffff  }
0x138: {  	v60 =	vor.u32 v2, v8;
	_ =	sdelay $0x3  }
0x139: {  	[tilespmem:v59+s18+$0x0] =	vst.idx.msk $0xffff, v58  }
0x13a: {  	v61 =	vor.u32 v3, v9;
	v10 =	vld.idx.msk [tilespmem:v60+s16+$0x0], $0xffff  }
0x13b: {  	v62 =	vor.u32 v4, v8;
	_ =	sdelay $0x3  }
0x13c: {  	[tilespmem:v61+s18+$0x0] =	vst.idx.msk $0xffff, v10  }
0x13d: {  	v63 =	vor.u32 v5, v9;
	v10 =	vld.idx.msk [tilespmem:v62+s16+$0x0], $0xffff  }
0x13e: {  	v8 =	vor.u32 v6, v8;
	_ =	sdelay $0x3  }
0x13f: {  	[tilespmem:v63+s18+$0x0] =	vst.idx.msk $0xffff, v10  }
0x140: {  	p0 =	sne.s32 s22, $0x1FF;
	v9 =	vor.u32 v7, v9;
	v8 =	vld.idx.msk [tilespmem:v8+s16+$0x0], $0xffff  }
.Ltmp0:
0x141: {  	_ = 	snop;
	(pc) =	sbr.rel @p0 .LBB2_2-.Ltmp0, $2  }
0x142: {  	_ =	sdelay $0x2  }
0x143: {  	s23 =	sadd.s32 $0x10, s23;
	s22 =	sadd.s32 $0x10, s22;
	[tilespmem:v9+s18+$0x0] =	vst.idx.msk $0xffff, v8  }
0x144: {  	s21 =	sadd.s32 $0x1, s21  }
0x145: {  	p0 =	sne.s32 s21, s5  }
.Ltmp1:
0x146: {  	_ = 	snop;
	(pc) =	sbr.rel @p0 .LBB2_1-.Ltmp1, $4  }
0x147: {  	[hbm4b:s4+s19] =	stream.strided.scatter [tilespmem:s18], [sflag:$0x2], $0x8000, s20, s19, $0x38;
	[tilespmem:$0x18200] =	vst v63  }
0x148: {  	_ =	swait.ge [sflag:s7], $0x8000  }
0x149: {  	[sflag:s7] =	ssyncset.done $0x0  }
0x14a: {  	[sflag:s7] =	ssyncadd.s32 $0xFFFF8000  }
0x14b: {  	_ =	sfence.sel $0x180000  }
0x14c: {  	[bflag:$0x0] =	sbarrier.arrive $0xFFFF  }
0x14d: {  	p0 =	sne.s32 s0, $0x0;
	_ =	strace $0x90000047  }
0x14e: {  	s0 =	sadd.s32 @!p0 $0x100000, s1;
	[bflag:$0x2] =	sbarrier.arrive $0xFFFF  }
0x14f: {  	[sflag:s0] =	ssyncadd.tile.s32 @!p0 $0x1;
	_ =	shalt  }
.Lfunc_end2:
_tile_overlayer_lowered:
.L_overlay_start_2:
0x150: {  	(tag) =	ssettag $0x2  }
0x151: {  	s0 =	rddreg [dreg:$0x0];
	s2 =	stileid.u32  }
0x152: {  	s1 =	rddreg [dreg:$0x1];
	p0 =	sne.s32 s2, $0x0  }
0x153: {  	s3 =	rddreg [dreg:$0x2];
	[bflag:$0x3] =	sbarrier.arrive $0xFFFF;
	s2 =	simm.s32 @!p0 $0x1C02  }
0x154: {  	[timem:s3], [sflag:s2] =	dma.local @!p0 [hbm:s0], s1  }
0x155: {  	s0 =	simm.s32 @!p0 $0x2  }
0x156: {  	_ =	swait.ge @!p0 [sflag:s0], s1  }
0x157: {  	s1 =	ssub.s32 @!p0 $0x0, s1;
	[sflag:s0] =	ssyncset.done @!p0 $0x0  }
0x158: {  	[sflag:s0] =	ssyncadd.s32 @!p0 s1  }
0x159: {  	[bflag:$0x3] =	sbarrier.arrive $0xFFFF  }
0x15a: {  	_ =	shalt  }

</sc_bundles>
